<compile_context>
chip_gen: v7x
topology: tpu7x:2x2x1
jax: 0.10.2.dev20260603
libtpu: 0.0.44.dev20260713+nightly
codegen_flags: <defaults>
</compile_context>

<pallas_src>
import jax
import jax.numpy as jnp
from jax import lax
from jax.experimental import pallas as pl
from jax.experimental.pallas import tpu as pltpu
from jax.experimental.pallas import tpu_sc as plsc

B, N, F = 1024, 200, 8
NUM_TYPES, EMBED_DIM = 8, 256

NC, NS, L = 2, 16, 16
NW = NC * NS
ROWS = B * N
PER_W = ROWS // NW
CHUNK = 128
N_CHUNKS = PER_W // CHUNK
NBUF = 2
REP = 512


def _sc_body(in_hbm, tab_hbm, out_hbm, in_v, idx_v, rows_v, gsems, osems):
    wid = lax.axis_index("s") * NC + lax.axis_index("c")
    base = wid * PER_W

    pltpu.sync_copy(in_hbm.at[pl.ds(base * F, PER_W * F)], in_v)

    strided = lax.iota(jnp.int32, L) * F + 2
    rep_base = lax.iota(jnp.int32, L) * NUM_TYPES
    phase = wid * (REP // NW)

    def build_idx(c):
        for j in range(CHUNK // L):
            vals = plsc.load_gather(
                in_v, [strided + (c * (CHUNK * F) + j * (L * F))])
            rep_off = rep_base + (
                ((phase + c * (CHUNK // L) + j) % (REP // L))
                * (L * NUM_TYPES))
            idx_v[c, pl.ds(j * L, L)] = rep_off + jnp.clip(
                vals.astype(jnp.int32), 0, NUM_TYPES - 1)

    def start_gather(c, b):
        pltpu.async_copy(tab_hbm.at[idx_v.at[c]], rows_v[b], gsems[b])

    for b in range(NBUF):
        build_idx(b)
        start_gather(b, b)

    def group_body(i, carry):
        for b in range(NBUF):
            c = i * NBUF + b

            @pl.when(c + NBUF < N_CHUNKS)
            def _():
                build_idx(c + NBUF)

            pltpu.make_async_copy(
                tab_hbm.at[idx_v.at[c]], rows_v[b], gsems[b]).wait()
            pltpu.async_copy(
                rows_v[b], out_hbm.at[pl.ds(base + c * CHUNK, CHUNK)],
                osems[b])

            @pl.when(c + NBUF < N_CHUNKS)
            def _():
                pltpu.make_async_copy(
                    rows_v[b],
                    out_hbm.at[pl.ds(base + c * CHUNK, CHUNK)],
                    osems[b]).wait()
                start_gather(c + NBUF, b)
        return carry

    lax.fori_loop(0, N_CHUNKS // NBUF, group_body, 0)

    for b in range(NBUF):
        c = N_CHUNKS - NBUF + b
        pltpu.make_async_copy(
            rows_v[b],
            out_hbm.at[pl.ds(base + c * CHUNK, CHUNK)],
            osems[b]).wait()


@jax.jit
def _sc_lookup(flat_inputs, rep_tab):
    mesh = plsc.VectorSubcoreMesh(
        core_axis_name="c", subcore_axis_name="s",
        num_cores=NC, num_subcores=NS,
    )
    return pl.kernel(
        _sc_body,
        out_type=jax.ShapeDtypeStruct((ROWS, EMBED_DIM), jnp.float32),
        mesh=mesh,
        scratch_types=[
            pltpu.VMEM((PER_W * F,), jnp.float32),
            pltpu.VMEM((N_CHUNKS, CHUNK), jnp.int32),
            [pltpu.VMEM((CHUNK, EMBED_DIM), jnp.float32)] * NBUF,
            [pltpu.SemaphoreType.DMA] * NBUF,
            [pltpu.SemaphoreType.DMA] * NBUF,
        ],
        compiler_params=pltpu.CompilerParams(needs_layout_passes=False),
    )(flat_inputs, rep_tab)


def kernel(inputs, type_embed):
    rep_tab = jnp.tile(type_embed, (REP, 1))
    out = _sc_lookup(inputs.reshape(ROWS * F), rep_tab)
    return out.reshape(B, N, EMBED_DIM)

# --- scband reference (transcript-rebuilt; emitter-appended) ---
"""Pipeline reference for scband-traffic-light-encoder-29652454211745 (READ-ONLY COPY).

The authoritative reference and input builder live on the scoring server;
editing this copy changes nothing except your own understanding.
"""

import jax, jax.numpy as jnp
import numpy as np

B, N, F = 1024, 200, 8
NUM_TYPES, EMBED_DIM = 8, 256

def setup_inputs(seed: int = 0) -> dict:
    key = jax.random.key(seed)
    k_inp, k_tab = jax.random.split(key)
    # inputs: float feature tensor whose column 2 holds the traffic-light type id
    inputs = jax.random.randint(k_inp, (B, N, F), 0, 8).astype(jnp.float32)
    # learned embedding table: nn.Embedding(8, 256), default init N(0,1)
    type_embed = jax.random.normal(k_tab, (NUM_TYPES, EMBED_DIM), dtype=jnp.float32)
    return {"inputs": inputs, "type_embed": type_embed}

def reference(inputs, type_embed):
    # traffic_light_type = inputs[:, :, 2].long().clamp(0, 7)
    traffic_light_type = jnp.clip(inputs[:, :, 2].astype(jnp.int32), 0, NUM_TYPES - 1)
    # type_embed lookup -> [B, N, 256]
    out = jnp.take(type_embed, traffic_light_type, axis=0)
    return out

if __name__ == "__main__":
    import jax
    _d = setup_inputs()
    print(jax.jit(kernel)(*tuple(_d.values())))

</pallas_src>

<mosaic_0001>
#map = affine_map<(d0, d1) -> (0)>
#map1 = affine_map<(d0, d1) -> (0, 0)>
module attributes {stable_mosaic.version = 14 : i64} {
  func.func @_sc_body(%arg0: i32, %arg1: i32, %arg2: memref<1638400xf32, #tpu.memory_space<hbm>>, %arg3: memref<4096x256xf32, #tpu.memory_space<hbm>>, %arg4: memref<204800x256xf32, #tpu.memory_space<hbm>>, %arg5: memref<51200xf32, #tpu.memory_space<vmem>>, %arg6: memref<50x128xi32, #tpu.memory_space<vmem>>, %arg7: memref<128x256xf32, #tpu.memory_space<vmem>>, %arg8: memref<128x256xf32, #tpu.memory_space<vmem>>, %arg9: memref<!tpu.dma_semaphore, #tpu.memory_space<semaphore_mem>>, %arg10: memref<!tpu.dma_semaphore, #tpu.memory_space<semaphore_mem>>, %arg11: memref<!tpu.dma_semaphore, #tpu.memory_space<semaphore_mem>>, %arg12: memref<!tpu.dma_semaphore, #tpu.memory_space<semaphore_mem>>) attributes {dimension_semantics = [#tpu.dimension_semantics<core_parallel>, #tpu.dimension_semantics<subcore_parallel>], iteration_bounds = array<i64: 2, 16>, scalar_prefetch = 0 : i64, scratch_operands = 8 : i64, tpu.core_type = #tpu.core_type<sc_vector_subcore>, window_params = [{transform_indices = #map}, {transform_indices = #map1}, {transform_indices = #map1}]} {
    %mul3A = arith.constant 2 : i32
    %mul3A_0 = arith.muli %arg1, %mul3A : i32
    %add3A = arith.addi %mul3A_0, %arg0 : i32
    %mul3A_1 = arith.constant 6400 : i32
    %mul3A_2 = arith.muli %add3A, %mul3A_1 : i32
    %mul3A_3 = arith.constant 8 : i32
    %mul3A_4 = arith.muli %mul3A_2, %mul3A_3 : i32
    "tpu.region"() ({
      %run_scoped3A = tpu.sem_alloc : memref<!tpu.dma_semaphore, #tpu.memory_space<semaphore_mem>>
      %dma_start3A_674 = tpu.memref_slice %arg2[%mul3A_4] : memref<1638400xf32, #tpu.memory_space<hbm>> -> memref<51200xf32, #tpu.memory_space<hbm>>
      %dma_start3A_675 = tpu.memref_slice %arg2[%mul3A_4] : memref<1638400xf32, #tpu.memory_space<hbm>> -> memref<51200xf32, #tpu.memory_space<hbm>>
      tpu.enqueue_dma source(%dma_start3A_675 : memref<51200xf32, #tpu.memory_space<hbm>>) target(%arg5 : memref<51200xf32, #tpu.memory_space<vmem>>) target_semaphore(%run_scoped3A : memref<!tpu.dma_semaphore, #tpu.memory_space<semaphore_mem>>)
      %dma_wait3A_676 = tpu.memref_slice %arg2[%mul3A_4] : memref<1638400xf32, #tpu.memory_space<hbm>> -> memref<51200xf32, #tpu.memory_space<hbm>>
      %dma_wait3A_677 = tpu.memref_slice %arg2[%mul3A_4] : memref<1638400xf32, #tpu.memory_space<hbm>> -> memref<51200xf32, #tpu.memory_space<hbm>>
      tpu.wait_dma2 semaphore(%run_scoped3A : memref<!tpu.dma_semaphore, #tpu.memory_space<semaphore_mem>>) src(%dma_wait3A_677 : memref<51200xf32, #tpu.memory_space<hbm>>) dst(%arg5 : memref<51200xf32, #tpu.memory_space<vmem>>)
      tpu.yield
    }) : () -> ()
    %iota3A = tpu.iota {dimensions = array<i32: 0>} : vector<16xi32>
    %mul3A_5 = arith.constant 8 : i32
    %mul3A_6 = vector.broadcast %mul3A_5 : i32 to vector<16xi32>
    %mul3A_7 = arith.muli %iota3A, %mul3A_6 : vector<16xi32>
    %add3A_8 = arith.constant 2 : i32
    %add3A_9 = vector.broadcast %add3A_8 : i32 to vector<16xi32>
    %add3A_10 = arith.addi %mul3A_7, %add3A_9 : vector<16xi32>
    %iota3A_11 = tpu.iota {dimensions = array<i32: 0>} : vector<16xi32>
    %mul3A_12 = arith.constant 8 : i32
    %mul3A_13 = vector.broadcast %mul3A_12 : i32 to vector<16xi32>
    %mul3A_14 = arith.muli %iota3A_11, %mul3A_13 : vector<16xi32>
    %mul3A_15 = arith.constant 16 : i32
    %mul3A_16 = arith.muli %add3A, %mul3A_15 : i32
    %add3A_17 = arith.constant 0 : i32
    %add3A_18 = vector.broadcast %add3A_17 : i32 to vector<16xi32>
    %add3A_19 = arith.addi %add3A_10, %add3A_18 : vector<16xi32>
    %gather3A = tpu.vector_load_idx %arg5[%add3A_19] : memref<51200xf32, #tpu.memory_space<vmem>>[vector<16xi32>], vector<16xf32>,
    %add3A_20 = arith.constant 0 : i32
    %add3A_21 = arith.addi %mul3A_16, %add3A_20 : i32
    %add3A_22 = arith.constant 0 : i32
    %add3A_23 = arith.addi %add3A_21, %add3A_22 : i32
    %jit3A = arith.constant 32 : i32
    %eq3A = arith.constant 0 : i32
    %eq3A_24 = arith.cmpi eq, %jit3A, %eq3A : i32
    %jit3A_25 = arith.constant 1 : i32
    %select_n3A = arith.select %eq3A_24, %jit3A_25, %jit3A : i32
    %rem3A = arith.remsi %add3A_23, %select_n3A : i32
    %ne3A = arith.constant 0 : i32
    %ne3A_26 = arith.cmpi ne, %rem3A, %ne3A : i32
    %lt3A = arith.constant 0 : i32
    %lt3A_27 = arith.cmpi slt, %rem3A, %lt3A : i32
    %lt3A_28 = arith.constant 0 : i32
    %lt3A_29 = arith.cmpi slt, %select_n3A, %lt3A_28 : i32
    %ne3A_30 = arith.xori %lt3A_27, %lt3A_29 : i1
    %and3A = arith.andi %ne3A_30, %ne3A_26 : i1
    %add3A_31 = arith.addi %rem3A, %select_n3A : i32
    %select_n3A_32 = arith.select %and3A, %add3A_31, %rem3A : i32
    %mul3A_33 = arith.constant 128 : i32
    %mul3A_34 = arith.muli %select_n3A_32, %mul3A_33 : i32
    %add3A_35 = vector.broadcast %mul3A_34 : i32 to vector<16xi32>
    %add3A_36 = arith.addi %mul3A_14, %add3A_35 : vector<16xi32>
    %convert_element_type3A = arith.fptosi %gather3A : vector<16xf32> to vector<16xi32>
    %jit3A_37 = arith.constant 0 : i32
    %jit3A_38 = arith.constant 7 : i32
    %max3A = vector.broadcast %jit3A_37 : i32 to vector<16xi32>
    %max3A_39 = arith.maxsi %max3A, %convert_element_type3A : vector<16xi32>
    %min3A = vector.broadcast %jit3A_38 : i32 to vector<16xi32>
    %min3A_40 = arith.minsi %min3A, %max3A_39 : vector<16xi32>
    %add3A_41 = arith.addi %add3A_36, %min3A_40 : vector<16xi32>
    %swap3A = arith.constant 0 : i32
    %swap3A_42 = arith.index_cast %swap3A : i32 to index
    %swap3A_43 = arith.constant 0 : index
    %swap3A_44 = tpu.vector_load %arg6[%swap3A_42, %swap3A_43] {strides = array<i32>} : memref<50x128xi32, #tpu.memory_space<vmem>>, vector<16xi32>,
    tpu.vector_store %arg6[%swap3A_42, %swap3A_43], %add3A_41 {strides = array<i32>} : memref<50x128xi32, #tpu.memory_space<vmem>>, vector<16xi32>,
    %add3A_45 = arith.constant 128 : i32
    %add3A_46 = vector.broadcast %add3A_45 : i32 to vector<16xi32>
    %add3A_47 = arith.addi %add3A_10, %add3A_46 : vector<16xi32>
    %gather3A_48 = tpu.vector_load_idx %arg5[%add3A_47] : memref<51200xf32, #tpu.memory_space<vmem>>[vector<16xi32>], vector<16xf32>,
    %add3A_49 = arith.constant 0 : i32
    %add3A_50 = arith.addi %mul3A_16, %add3A_49 : i32
    %add3A_51 = arith.constant 1 : i32
    %add3A_52 = arith.addi %add3A_50, %add3A_51 : i32
    %jit3A_53 = arith.constant 32 : i32
    %eq3A_54 = arith.constant 0 : i32
    %eq3A_55 = arith.cmpi eq, %jit3A_53, %eq3A_54 : i32
    %jit3A_56 = arith.constant 1 : i32
    %select_n3A_57 = arith.select %eq3A_55, %jit3A_56, %jit3A_53 : i32
    %rem3A_58 = arith.remsi %add3A_52, %select_n3A_57 : i32
    %ne3A_59 = arith.constant 0 : i32
    %ne3A_60 = arith.cmpi ne, %rem3A_58, %ne3A_59 : i32
    %lt3A_61 = arith.constant 0 : i32
    %lt3A_62 = arith.cmpi slt, %rem3A_58, %lt3A_61 : i32
    %lt3A_63 = arith.constant 0 : i32
    %lt3A_64 = arith.cmpi slt, %select_n3A_57, %lt3A_63 : i32
    %ne3A_65 = arith.xori %lt3A_62, %lt3A_64 : i1
    %and3A_66 = arith.andi %ne3A_65, %ne3A_60 : i1
    %add3A_67 = arith.addi %rem3A_58, %select_n3A_57 : i32
    %select_n3A_68 = arith.select %and3A_66, %add3A_67, %rem3A_58 : i32
    %mul3A_69 = arith.constant 128 : i32
    %mul3A_70 = arith.muli %select_n3A_68, %mul3A_69 : i32
    %add3A_71 = vector.broadcast %mul3A_70 : i32 to vector<16xi32>
    %add3A_72 = arith.addi %mul3A_14, %add3A_71 : vector<16xi32>
    %convert_element_type3A_73 = arith.fptosi %gather3A_48 : vector<16xf32> to vector<16xi32>
    %jit3A_74 = arith.constant 0 : i32
    %jit3A_75 = arith.constant 7 : i32
    %max3A_76 = vector.broadcast %jit3A_74 : i32 to vector<16xi32>
    %max3A_77 = arith.maxsi %max3A_76, %convert_element_type3A_73 : vector<16xi32>
    %min3A_78 = vector.broadcast %jit3A_75 : i32 to vector<16xi32>
    %min3A_79 = arith.minsi %min3A_78, %max3A_77 : vector<16xi32>
    %add3A_80 = arith.addi %add3A_72, %min3A_79 : vector<16xi32>
    %swap3A_81 = arith.constant 0 : i32
    %swap3A_82 = arith.index_cast %swap3A_81 : i32 to index
    %swap3A_83 = arith.constant 16 : index
    %swap3A_84 = tpu.vector_load %arg6[%swap3A_82, %swap3A_83] {strides = array<i32>} : memref<50x128xi32, #tpu.memory_space<vmem>>, vector<16xi32>,
    tpu.vector_store %arg6[%swap3A_82, %swap3A_83], %add3A_80 {strides = array<i32>} : memref<50x128xi32, #tpu.memory_space<vmem>>, vector<16xi32>,
    %add3A_85 = arith.constant 256 : i32
    %add3A_86 = vector.broadcast %add3A_85 : i32 to vector<16xi32>
    %add3A_87 = arith.addi %add3A_10, %add3A_86 : vector<16xi32>
    %gather3A_88 = tpu.vector_load_idx %arg5[%add3A_87] : memref<51200xf32, #tpu.memory_space<vmem>>[vector<16xi32>], vector<16xf32>,
    %add3A_89 = arith.constant 0 : i32
    %add3A_90 = arith.addi %mul3A_16, %add3A_89 : i32
    %add3A_91 = arith.constant 2 : i32
    %add3A_92 = arith.addi %add3A_90, %add3A_91 : i32
    %jit3A_93 = arith.constant 32 : i32
    %eq3A_94 = arith.constant 0 : i32
    %eq3A_95 = arith.cmpi eq, %jit3A_93, %eq3A_94 : i32
    %jit3A_96 = arith.constant 1 : i32
    %select_n3A_97 = arith.select %eq3A_95, %jit3A_96, %jit3A_93 : i32
    %rem3A_98 = arith.remsi %add3A_92, %select_n3A_97 : i32
    %ne3A_99 = arith.constant 0 : i32
    %ne3A_100 = arith.cmpi ne, %rem3A_98, %ne3A_99 : i32
    %lt3A_101 = arith.constant 0 : i32
    %lt3A_102 = arith.cmpi slt, %rem3A_98, %lt3A_101 : i32
    %lt3A_103 = arith.constant 0 : i32
    %lt3A_104 = arith.cmpi slt, %select_n3A_97, %lt3A_103 : i32
    %ne3A_105 = arith.xori %lt3A_102, %lt3A_104 : i1
    %and3A_106 = arith.andi %ne3A_105, %ne3A_100 : i1
    %add3A_107 = arith.addi %rem3A_98, %select_n3A_97 : i32
    %select_n3A_108 = arith.select %and3A_106, %add3A_107, %rem3A_98 : i32
    %mul3A_109 = arith.constant 128 : i32
    %mul3A_110 = arith.muli %select_n3A_108, %mul3A_109 : i32
    %add3A_111 = vector.broadcast %mul3A_110 : i32 to vector<16xi32>
    %add3A_112 = arith.addi %mul3A_14, %add3A_111 : vector<16xi32>
    %convert_element_type3A_113 = arith.fptosi %gather3A_88 : vector<16xf32> to vector<16xi32>
    %jit3A_114 = arith.constant 0 : i32
    %jit3A_115 = arith.constant 7 : i32
    %max3A_116 = vector.broadcast %jit3A_114 : i32 to vector<16xi32>
    %max3A_117 = arith.maxsi %max3A_116, %convert_element_type3A_113 : vector<16xi32>
    %min3A_118 = vector.broadcast %jit3A_115 : i32 to vector<16xi32>
    %min3A_119 = arith.minsi %min3A_118, %max3A_117 : vector<16xi32>
    %add3A_120 = arith.addi %add3A_112, %min3A_119 : vector<16xi32>
    %swap3A_121 = arith.constant 0 : i32
    %swap3A_122 = arith.index_cast %swap3A_121 : i32 to index
    %swap3A_123 = arith.constant 32 : index
    %swap3A_124 = tpu.vector_load %arg6[%swap3A_122, %swap3A_123] {strides = array<i32>} : memref<50x128xi32, #tpu.memory_space<vmem>>, vector<16xi32>,
    tpu.vector_store %arg6[%swap3A_122, %swap3A_123], %add3A_120 {strides = array<i32>} : memref<50x128xi32, #tpu.memory_space<vmem>>, vector<16xi32>,
    %add3A_125 = arith.constant 384 : i32
    %add3A_126 = vector.broadcast %add3A_125 : i32 to vector<16xi32>
    %add3A_127 = arith.addi %add3A_10, %add3A_126 : vector<16xi32>
    %gather3A_128 = tpu.vector_load_idx %arg5[%add3A_127] : memref<51200xf32, #tpu.memory_space<vmem>>[vector<16xi32>], vector<16xf32>,
    %add3A_129 = arith.constant 0 : i32
    %add3A_130 = arith.addi %mul3A_16, %add3A_129 : i32
    %add3A_131 = arith.constant 3 : i32
    %add3A_132 = arith.addi %add3A_130, %add3A_131 : i32
    %jit3A_133 = arith.constant 32 : i32
    %eq3A_134 = arith.constant 0 : i32
    %eq3A_135 = arith.cmpi eq, %jit3A_133, %eq3A_134 : i32
    %jit3A_136 = arith.constant 1 : i32
    %select_n3A_137 = arith.select %eq3A_135, %jit3A_136, %jit3A_133 : i32
    %rem3A_138 = arith.remsi %add3A_132, %select_n3A_137 : i32
    %ne3A_139 = arith.constant 0 : i32
    %ne3A_140 = arith.cmpi ne, %rem3A_138, %ne3A_139 : i32
    %lt3A_141 = arith.constant 0 : i32
    %lt3A_142 = arith.cmpi slt, %rem3A_138, %lt3A_141 : i32
    %lt3A_143 = arith.constant 0 : i32
    %lt3A_144 = arith.cmpi slt, %select_n3A_137, %lt3A_143 : i32
    %ne3A_145 = arith.xori %lt3A_142, %lt3A_144 : i1
    %and3A_146 = arith.andi %ne3A_145, %ne3A_140 : i1
    %add3A_147 = arith.addi %rem3A_138, %select_n3A_137 : i32
    %select_n3A_148 = arith.select %and3A_146, %add3A_147, %rem3A_138 : i32
    %mul3A_149 = arith.constant 128 : i32
    %mul3A_150 = arith.muli %select_n3A_148, %mul3A_149 : i32
    %add3A_151 = vector.broadcast %mul3A_150 : i32 to vector<16xi32>
    %add3A_152 = arith.addi %mul3A_14, %add3A_151 : vector<16xi32>
    %convert_element_type3A_153 = arith.fptosi %gather3A_128 : vector<16xf32> to vector<16xi32>
    %jit3A_154 = arith.constant 0 : i32
    %jit3A_155 = arith.constant 7 : i32
    %max3A_156 = vector.broadcast %jit3A_154 : i32 to vector<16xi32>
    %max3A_157 = arith.maxsi %max3A_156, %convert_element_type3A_153 : vector<16xi32>
    %min3A_158 = vector.broadcast %jit3A_155 : i32 to vector<16xi32>
    %min3A_159 = arith.minsi %min3A_158, %max3A_157 : vector<16xi32>
    %add3A_160 = arith.addi %add3A_152, %min3A_159 : vector<16xi32>
    %swap3A_161 = arith.constant 0 : i32
    %swap3A_162 = arith.index_cast %swap3A_161 : i32 to index
    %swap3A_163 = arith.constant 48 : index
    %swap3A_164 = tpu.vector_load %arg6[%swap3A_162, %swap3A_163] {strides = array<i32>} : memref<50x128xi32, #tpu.memory_space<vmem>>, vector<16xi32>,
    tpu.vector_store %arg6[%swap3A_162, %swap3A_163], %add3A_160 {strides = array<i32>} : memref<50x128xi32, #tpu.memory_space<vmem>>, vector<16xi32>,
    %add3A_165 = arith.constant 512 : i32
    %add3A_166 = vector.broadcast %add3A_165 : i32 to vector<16xi32>
    %add3A_167 = arith.addi %add3A_10, %add3A_166 : vector<16xi32>
    %gather3A_168 = tpu.vector_load_idx %arg5[%add3A_167] : memref<51200xf32, #tpu.memory_space<vmem>>[vector<16xi32>], vector<16xf32>,
    %add3A_169 = arith.constant 0 : i32
    %add3A_170 = arith.addi %mul3A_16, %add3A_169 : i32
    %add3A_171 = arith.constant 4 : i32
    %add3A_172 = arith.addi %add3A_170, %add3A_171 : i32
    %jit3A_173 = arith.constant 32 : i32
    %eq3A_174 = arith.constant 0 : i32
    %eq3A_175 = arith.cmpi eq, %jit3A_173, %eq3A_174 : i32
    %jit3A_176 = arith.constant 1 : i32
    %select_n3A_177 = arith.select %eq3A_175, %jit3A_176, %jit3A_173 : i32
    %rem3A_178 = arith.remsi %add3A_172, %select_n3A_177 : i32
    %ne3A_179 = arith.constant 0 : i32
    %ne3A_180 = arith.cmpi ne, %rem3A_178, %ne3A_179 : i32
    %lt3A_181 = arith.constant 0 : i32
    %lt3A_182 = arith.cmpi slt, %rem3A_178, %lt3A_181 : i32
    %lt3A_183 = arith.constant 0 : i32
    %lt3A_184 = arith.cmpi slt, %select_n3A_177, %lt3A_183 : i32
    %ne3A_185 = arith.xori %lt3A_182, %lt3A_184 : i1
    %and3A_186 = arith.andi %ne3A_185, %ne3A_180 : i1
    %add3A_187 = arith.addi %rem3A_178, %select_n3A_177 : i32
    %select_n3A_188 = arith.select %and3A_186, %add3A_187, %rem3A_178 : i32
    %mul3A_189 = arith.constant 128 : i32
    %mul3A_190 = arith.muli %select_n3A_188, %mul3A_189 : i32
    %add3A_191 = vector.broadcast %mul3A_190 : i32 to vector<16xi32>
    %add3A_192 = arith.addi %mul3A_14, %add3A_191 : vector<16xi32>
    %convert_element_type3A_193 = arith.fptosi %gather3A_168 : vector<16xf32> to vector<16xi32>
    %jit3A_194 = arith.constant 0 : i32
    %jit3A_195 = arith.constant 7 : i32
    %max3A_196 = vector.broadcast %jit3A_194 : i32 to vector<16xi32>
    %max3A_197 = arith.maxsi %max3A_196, %convert_element_type3A_193 : vector<16xi32>
    %min3A_198 = vector.broadcast %jit3A_195 : i32 to vector<16xi32>
    %min3A_199 = arith.minsi %min3A_198, %max3A_197 : vector<16xi32>
    %add3A_200 = arith.addi %add3A_192, %min3A_199 : vector<16xi32>
    %swap3A_201 = arith.constant 0 : i32
    %swap3A_202 = arith.index_cast %swap3A_201 : i32 to index
    %swap3A_203 = arith.constant 64 : index
    %swap3A_204 = tpu.vector_load %arg6[%swap3A_202, %swap3A_203] {strides = array<i32>} : memref<50x128xi32, #tpu.memory_space<vmem>>, vector<16xi32>,
    tpu.vector_store %arg6[%swap3A_202, %swap3A_203], %add3A_200 {strides = array<i32>} : memref<50x128xi32, #tpu.memory_space<vmem>>, vector<16xi32>,
    %add3A_205 = arith.constant 640 : i32
    %add3A_206 = vector.broadcast %add3A_205 : i32 to vector<16xi32>
    %add3A_207 = arith.addi %add3A_10, %add3A_206 : vector<16xi32>
    %gather3A_208 = tpu.vector_load_idx %arg5[%add3A_207] : memref<51200xf32, #tpu.memory_space<vmem>>[vector<16xi32>], vector<16xf32>,
    %add3A_209 = arith.constant 0 : i32
    %add3A_210 = arith.addi %mul3A_16, %add3A_209 : i32
    %add3A_211 = arith.constant 5 : i32
    %add3A_212 = arith.addi %add3A_210, %add3A_211 : i32
    %jit3A_213 = arith.constant 32 : i32
    %eq3A_214 = arith.constant 0 : i32
    %eq3A_215 = arith.cmpi eq, %jit3A_213, %eq3A_214 : i32
    %jit3A_216 = arith.constant 1 : i32
    %select_n3A_217 = arith.select %eq3A_215, %jit3A_216, %jit3A_213 : i32
    %rem3A_218 = arith.remsi %add3A_212, %select_n3A_217 : i32
    %ne3A_219 = arith.constant 0 : i32
    %ne3A_220 = arith.cmpi ne, %rem3A_218, %ne3A_219 : i32
    %lt3A_221 = arith.constant 0 : i32
    %lt3A_222 = arith.cmpi slt, %rem3A_218, %lt3A_221 : i32
    %lt3A_223 = arith.constant 0 : i32
    %lt3A_224 = arith.cmpi slt, %select_n3A_217, %lt3A_223 : i32
    %ne3A_225 = arith.xori %lt3A_222, %lt3A_224 : i1
    %and3A_226 = arith.andi %ne3A_225, %ne3A_220 : i1
    %add3A_227 = arith.addi %rem3A_218, %select_n3A_217 : i32
    %select_n3A_228 = arith.select %and3A_226, %add3A_227, %rem3A_218 : i32
    %mul3A_229 = arith.constant 128 : i32
    %mul3A_230 = arith.muli %select_n3A_228, %mul3A_229 : i32
    %add3A_231 = vector.broadcast %mul3A_230 : i32 to vector<16xi32>
    %add3A_232 = arith.addi %mul3A_14, %add3A_231 : vector<16xi32>
    %convert_element_type3A_233 = arith.fptosi %gather3A_208 : vector<16xf32> to vector<16xi32>
    %jit3A_234 = arith.constant 0 : i32
    %jit3A_235 = arith.constant 7 : i32
    %max3A_236 = vector.broadcast %jit3A_234 : i32 to vector<16xi32>
    %max3A_237 = arith.maxsi %max3A_236, %convert_element_type3A_233 : vector<16xi32>
    %min3A_238 = vector.broadcast %jit3A_235 : i32 to vector<16xi32>
    %min3A_239 = arith.minsi %min3A_238, %max3A_237 : vector<16xi32>
    %add3A_240 = arith.addi %add3A_232, %min3A_239 : vector<16xi32>
    %swap3A_241 = arith.constant 0 : i32
    %swap3A_242 = arith.index_cast %swap3A_241 : i32 to index
    %swap3A_243 = arith.constant 80 : index
    %swap3A_244 = tpu.vector_load %arg6[%swap3A_242, %swap3A_243] {strides = array<i32>} : memref<50x128xi32, #tpu.memory_space<vmem>>, vector<16xi32>,
    tpu.vector_store %arg6[%swap3A_242, %swap3A_243], %add3A_240 {strides = array<i32>} : memref<50x128xi32, #tpu.memory_space<vmem>>, vector<16xi32>,
    %add3A_245 = arith.constant 768 : i32
    %add3A_246 = vector.broadcast %add3A_245 : i32 to vector<16xi32>
    %add3A_247 = arith.addi %add3A_10, %add3A_246 : vector<16xi32>
    %gather3A_248 = tpu.vector_load_idx %arg5[%add3A_247] : memref<51200xf32, #tpu.memory_space<vmem>>[vector<16xi32>], vector<16xf32>,
    %add3A_249 = arith.constant 0 : i32
    %add3A_250 = arith.addi %mul3A_16, %add3A_249 : i32
    %add3A_251 = arith.constant 6 : i32
    %add3A_252 = arith.addi %add3A_250, %add3A_251 : i32
    %jit3A_253 = arith.constant 32 : i32
    %eq3A_254 = arith.constant 0 : i32
    %eq3A_255 = arith.cmpi eq, %jit3A_253, %eq3A_254 : i32
    %jit3A_256 = arith.constant 1 : i32
    %select_n3A_257 = arith.select %eq3A_255, %jit3A_256, %jit3A_253 : i32
    %rem3A_258 = arith.remsi %add3A_252, %select_n3A_257 : i32
    %ne3A_259 = arith.constant 0 : i32
    %ne3A_260 = arith.cmpi ne, %rem3A_258, %ne3A_259 : i32
    %lt3A_261 = arith.constant 0 : i32
    %lt3A_262 = arith.cmpi slt, %rem3A_258, %lt3A_261 : i32
    %lt3A_263 = arith.constant 0 : i32
    %lt3A_264 = arith.cmpi slt, %select_n3A_257, %lt3A_263 : i32
    %ne3A_265 = arith.xori %lt3A_262, %lt3A_264 : i1
    %and3A_266 = arith.andi %ne3A_265, %ne3A_260 : i1
    %add3A_267 = arith.addi %rem3A_258, %select_n3A_257 : i32
    %select_n3A_268 = arith.select %and3A_266, %add3A_267, %rem3A_258 : i32
    %mul3A_269 = arith.constant 128 : i32
    %mul3A_270 = arith.muli %select_n3A_268, %mul3A_269 : i32
    %add3A_271 = vector.broadcast %mul3A_270 : i32 to vector<16xi32>
    %add3A_272 = arith.addi %mul3A_14, %add3A_271 : vector<16xi32>
    %convert_element_type3A_273 = arith.fptosi %gather3A_248 : vector<16xf32> to vector<16xi32>
    %jit3A_274 = arith.constant 0 : i32
    %jit3A_275 = arith.constant 7 : i32
    %max3A_276 = vector.broadcast %jit3A_274 : i32 to vector<16xi32>
    %max3A_277 = arith.maxsi %max3A_276, %convert_element_type3A_273 : vector<16xi32>
    %min3A_278 = vector.broadcast %jit3A_275 : i32 to vector<16xi32>
    %min3A_279 = arith.minsi %min3A_278, %max3A_277 : vector<16xi32>
    %add3A_280 = arith.addi %add3A_272, %min3A_279 : vector<16xi32>
    %swap3A_281 = arith.constant 0 : i32
    %swap3A_282 = arith.index_cast %swap3A_281 : i32 to index
    %swap3A_283 = arith.constant 96 : index
    %swap3A_284 = tpu.vector_load %arg6[%swap3A_282, %swap3A_283] {strides = array<i32>} : memref<50x128xi32, #tpu.memory_space<vmem>>, vector<16xi32>,
    tpu.vector_store %arg6[%swap3A_282, %swap3A_283], %add3A_280 {strides = array<i32>} : memref<50x128xi32, #tpu.memory_space<vmem>>, vector<16xi32>,
    %add3A_285 = arith.constant 896 : i32
    %add3A_286 = vector.broadcast %add3A_285 : i32 to vector<16xi32>
    %add3A_287 = arith.addi %add3A_10, %add3A_286 : vector<16xi32>
    %gather3A_288 = tpu.vector_load_idx %arg5[%add3A_287] : memref<51200xf32, #tpu.memory_space<vmem>>[vector<16xi32>], vector<16xf32>,
    %add3A_289 = arith.constant 0 : i32
    %add3A_290 = arith.addi %mul3A_16, %add3A_289 : i32
    %add3A_291 = arith.constant 7 : i32
    %add3A_292 = arith.addi %add3A_290, %add3A_291 : i32
    %jit3A_293 = arith.constant 32 : i32
    %eq3A_294 = arith.constant 0 : i32
    %eq3A_295 = arith.cmpi eq, %jit3A_293, %eq3A_294 : i32
    %jit3A_296 = arith.constant 1 : i32
    %select_n3A_297 = arith.select %eq3A_295, %jit3A_296, %jit3A_293 : i32
    %rem3A_298 = arith.remsi %add3A_292, %select_n3A_297 : i32
    %ne3A_299 = arith.constant 0 : i32
    %ne3A_300 = arith.cmpi ne, %rem3A_298, %ne3A_299 : i32
    %lt3A_301 = arith.constant 0 : i32
    %lt3A_302 = arith.cmpi slt, %rem3A_298, %lt3A_301 : i32
    %lt3A_303 = arith.constant 0 : i32
    %lt3A_304 = arith.cmpi slt, %select_n3A_297, %lt3A_303 : i32
    %ne3A_305 = arith.xori %lt3A_302, %lt3A_304 : i1
    %and3A_306 = arith.andi %ne3A_305, %ne3A_300 : i1
    %add3A_307 = arith.addi %rem3A_298, %select_n3A_297 : i32
    %select_n3A_308 = arith.select %and3A_306, %add3A_307, %rem3A_298 : i32
    %mul3A_309 = arith.constant 128 : i32
    %mul3A_310 = arith.muli %select_n3A_308, %mul3A_309 : i32
    %add3A_311 = vector.broadcast %mul3A_310 : i32 to vector<16xi32>
    %add3A_312 = arith.addi %mul3A_14, %add3A_311 : vector<16xi32>
    %convert_element_type3A_313 = arith.fptosi %gather3A_288 : vector<16xf32> to vector<16xi32>
    %jit3A_314 = arith.constant 0 : i32
    %jit3A_315 = arith.constant 7 : i32
    %max3A_316 = vector.broadcast %jit3A_314 : i32 to vector<16xi32>
    %max3A_317 = arith.maxsi %max3A_316, %convert_element_type3A_313 : vector<16xi32>
    %min3A_318 = vector.broadcast %jit3A_315 : i32 to vector<16xi32>
    %min3A_319 = arith.minsi %min3A_318, %max3A_317 : vector<16xi32>
    %add3A_320 = arith.addi %add3A_312, %min3A_319 : vector<16xi32>
    %swap3A_321 = arith.constant 0 : i32
    %swap3A_322 = arith.index_cast %swap3A_321 : i32 to index
    %swap3A_323 = arith.constant 112 : index
    %swap3A_324 = tpu.vector_load %arg6[%swap3A_322, %swap3A_323] {strides = array<i32>} : memref<50x128xi32, #tpu.memory_space<vmem>>, vector<16xi32>,
    tpu.vector_store %arg6[%swap3A_322, %swap3A_323], %add3A_320 {strides = array<i32>} : memref<50x128xi32, #tpu.memory_space<vmem>>, vector<16xi32>,
    %dma_start3A = arith.constant 0 : i32
    %dma_start3A_325 = arith.constant 0 : i32
    %dma_start3A_326 = tpu.memref_slice %arg6[%dma_start3A, %dma_start3A_325] : memref<50x128xi32, #tpu.memory_space<vmem>> -> memref<1x128xi32, #tpu.memory_space<vmem>>
    %dma_start3A_327 = tpu.memref_squeeze %dma_start3A_326 : memref<1x128xi32, #tpu.memory_space<vmem>> -> memref<128xi32, #tpu.memory_space<vmem>>
    %dma_start3A_328 = arith.constant 0 : i32
    %dma_start3A_329 = arith.constant 0 : i32
    %dma_start3A_330 = tpu.memref_slice %arg3[%dma_start3A_328, %dma_start3A_329] : memref<4096x256xf32, #tpu.memory_space<hbm>> -> memref<4096x256xf32, #tpu.memory_space<hbm>>
    tpu.enqueue_indirect_dma source(%dma_start3A_330 : memref<4096x256xf32, #tpu.memory_space<hbm>>) target(%arg7 : memref<128x256xf32, #tpu.memory_space<vmem>>) offsets(%dma_start3A_327 : memref<128xi32, #tpu.memory_space<vmem>>) semaphore(%arg9 : memref<!tpu.dma_semaphore, #tpu.memory_space<semaphore_mem>>)
    %add3A_331 = arith.constant 1024 : i32
    %add3A_332 = vector.broadcast %add3A_331 : i32 to vector<16xi32>
    %add3A_333 = arith.addi %add3A_10, %add3A_332 : vector<16xi32>
    %gather3A_334 = tpu.vector_load_idx %arg5[%add3A_333] : memref<51200xf32, #tpu.memory_space<vmem>>[vector<16xi32>], vector<16xf32>,
    %add3A_335 = arith.constant 8 : i32
    %add3A_336 = arith.addi %mul3A_16, %add3A_335 : i32
    %add3A_337 = arith.constant 0 : i32
    %add3A_338 = arith.addi %add3A_336, %add3A_337 : i32
    %jit3A_339 = arith.constant 32 : i32
    %eq3A_340 = arith.constant 0 : i32
    %eq3A_341 = arith.cmpi eq, %jit3A_339, %eq3A_340 : i32
    %jit3A_342 = arith.constant 1 : i32
    %select_n3A_343 = arith.select %eq3A_341, %jit3A_342, %jit3A_339 : i32
    %rem3A_344 = arith.remsi %add3A_338, %select_n3A_343 : i32
    %ne3A_345 = arith.constant 0 : i32
    %ne3A_346 = arith.cmpi ne, %rem3A_344, %ne3A_345 : i32
    %lt3A_347 = arith.constant 0 : i32
    %lt3A_348 = arith.cmpi slt, %rem3A_344, %lt3A_347 : i32
    %lt3A_349 = arith.constant 0 : i32
    %lt3A_350 = arith.cmpi slt, %select_n3A_343, %lt3A_349 : i32
    %ne3A_351 = arith.xori %lt3A_348, %lt3A_350 : i1
    %and3A_352 = arith.andi %ne3A_351, %ne3A_346 : i1
    %add3A_353 = arith.addi %rem3A_344, %select_n3A_343 : i32
    %select_n3A_354 = arith.select %and3A_352, %add3A_353, %rem3A_344 : i32
    %mul3A_355 = arith.constant 128 : i32
    %mul3A_356 = arith.muli %select_n3A_354, %mul3A_355 : i32
    %add3A_357 = vector.broadcast %mul3A_356 : i32 to vector<16xi32>
    %add3A_358 = arith.addi %mul3A_14, %add3A_357 : vector<16xi32>
    %convert_element_type3A_359 = arith.fptosi %gather3A_334 : vector<16xf32> to vector<16xi32>
    %jit3A_360 = arith.constant 0 : i32
    %jit3A_361 = arith.constant 7 : i32
    %max3A_362 = vector.broadcast %jit3A_360 : i32 to vector<16xi32>
    %max3A_363 = arith.maxsi %max3A_362, %convert_element_type3A_359 : vector<16xi32>
    %min3A_364 = vector.broadcast %jit3A_361 : i32 to vector<16xi32>
    %min3A_365 = arith.minsi %min3A_364, %max3A_363 : vector<16xi32>
    %add3A_366 = arith.addi %add3A_358, %min3A_365 : vector<16xi32>
    %swap3A_367 = arith.constant 1 : i32
    %swap3A_368 = arith.index_cast %swap3A_367 : i32 to index
    %swap3A_369 = arith.constant 0 : index
    %swap3A_370 = tpu.vector_load %arg6[%swap3A_368, %swap3A_369] {strides = array<i32>} : memref<50x128xi32, #tpu.memory_space<vmem>>, vector<16xi32>,
    tpu.vector_store %arg6[%swap3A_368, %swap3A_369], %add3A_366 {strides = array<i32>} : memref<50x128xi32, #tpu.memory_space<vmem>>, vector<16xi32>,
    %add3A_371 = arith.constant 1152 : i32
    %add3A_372 = vector.broadcast %add3A_371 : i32 to vector<16xi32>
    %add3A_373 = arith.addi %add3A_10, %add3A_372 : vector<16xi32>
    %gather3A_374 = tpu.vector_load_idx %arg5[%add3A_373] : memref<51200xf32, #tpu.memory_space<vmem>>[vector<16xi32>], vector<16xf32>,
    %add3A_375 = arith.constant 8 : i32
    %add3A_376 = arith.addi %mul3A_16, %add3A_375 : i32
    %add3A_377 = arith.constant 1 : i32
    %add3A_378 = arith.addi %add3A_376, %add3A_377 : i32
    %jit3A_379 = arith.constant 32 : i32
    %eq3A_380 = arith.constant 0 : i32
    %eq3A_381 = arith.cmpi eq, %jit3A_379, %eq3A_380 : i32
    %jit3A_382 = arith.constant 1 : i32
    %select_n3A_383 = arith.select %eq3A_381, %jit3A_382, %jit3A_379 : i32
    %rem3A_384 = arith.remsi %add3A_378, %select_n3A_383 : i32
    %ne3A_385 = arith.constant 0 : i32
    %ne3A_386 = arith.cmpi ne, %rem3A_384, %ne3A_385 : i32
    %lt3A_387 = arith.constant 0 : i32
    %lt3A_388 = arith.cmpi slt, %rem3A_384, %lt3A_387 : i32
    %lt3A_389 = arith.constant 0 : i32
    %lt3A_390 = arith.cmpi slt, %select_n3A_383, %lt3A_389 : i32
    %ne3A_391 = arith.xori %lt3A_388, %lt3A_390 : i1
    %and3A_392 = arith.andi %ne3A_391, %ne3A_386 : i1
    %add3A_393 = arith.addi %rem3A_384, %select_n3A_383 : i32
    %select_n3A_394 = arith.select %and3A_392, %add3A_393, %rem3A_384 : i32
    %mul3A_395 = arith.constant 128 : i32
    %mul3A_396 = arith.muli %select_n3A_394, %mul3A_395 : i32
    %add3A_397 = vector.broadcast %mul3A_396 : i32 to vector<16xi32>
    %add3A_398 = arith.addi %mul3A_14, %add3A_397 : vector<16xi32>
    %convert_element_type3A_399 = arith.fptosi %gather3A_374 : vector<16xf32> to vector<16xi32>
    %jit3A_400 = arith.constant 0 : i32
    %jit3A_401 = arith.constant 7 : i32
    %max3A_402 = vector.broadcast %jit3A_400 : i32 to vector<16xi32>
    %max3A_403 = arith.maxsi %max3A_402, %convert_element_type3A_399 : vector<16xi32>
    %min3A_404 = vector.broadcast %jit3A_401 : i32 to vector<16xi32>
    %min3A_405 = arith.minsi %min3A_404, %max3A_403 : vector<16xi32>
    %add3A_406 = arith.addi %add3A_398, %min3A_405 : vector<16xi32>
    %swap3A_407 = arith.constant 1 : i32
    %swap3A_408 = arith.index_cast %swap3A_407 : i32 to index
    %swap3A_409 = arith.constant 16 : index
    %swap3A_410 = tpu.vector_load %arg6[%swap3A_408, %swap3A_409] {strides = array<i32>} : memref<50x128xi32, #tpu.memory_space<vmem>>, vector<16xi32>,
    tpu.vector_store %arg6[%swap3A_408, %swap3A_409], %add3A_406 {strides = array<i32>} : memref<50x128xi32, #tpu.memory_space<vmem>>, vector<16xi32>,
    %add3A_411 = arith.constant 1280 : i32
    %add3A_412 = vector.broadcast %add3A_411 : i32 to vector<16xi32>
    %add3A_413 = arith.addi %add3A_10, %add3A_412 : vector<16xi32>
    %gather3A_414 = tpu.vector_load_idx %arg5[%add3A_413] : memref<51200xf32, #tpu.memory_space<vmem>>[vector<16xi32>], vector<16xf32>,
    %add3A_415 = arith.constant 8 : i32
    %add3A_416 = arith.addi %mul3A_16, %add3A_415 : i32
    %add3A_417 = arith.constant 2 : i32
    %add3A_418 = arith.addi %add3A_416, %add3A_417 : i32
    %jit3A_419 = arith.constant 32 : i32
    %eq3A_420 = arith.constant 0 : i32
    %eq3A_421 = arith.cmpi eq, %jit3A_419, %eq3A_420 : i32
    %jit3A_422 = arith.constant 1 : i32
    %select_n3A_423 = arith.select %eq3A_421, %jit3A_422, %jit3A_419 : i32
    %rem3A_424 = arith.remsi %add3A_418, %select_n3A_423 : i32
    %ne3A_425 = arith.constant 0 : i32
    %ne3A_426 = arith.cmpi ne, %rem3A_424, %ne3A_425 : i32
    %lt3A_427 = arith.constant 0 : i32
    %lt3A_428 = arith.cmpi slt, %rem3A_424, %lt3A_427 : i32
    %lt3A_429 = arith.constant 0 : i32
    %lt3A_430 = arith.cmpi slt, %select_n3A_423, %lt3A_429 : i32
    %ne3A_431 = arith.xori %lt3A_428, %lt3A_430 : i1
    %and3A_432 = arith.andi %ne3A_431, %ne3A_426 : i1
    %add3A_433 = arith.addi %rem3A_424, %select_n3A_423 : i32
    %select_n3A_434 = arith.select %and3A_432, %add3A_433, %rem3A_424 : i32
    %mul3A_435 = arith.constant 128 : i32
    %mul3A_436 = arith.muli %select_n3A_434, %mul3A_435 : i32
    %add3A_437 = vector.broadcast %mul3A_436 : i32 to vector<16xi32>
    %add3A_438 = arith.addi %mul3A_14, %add3A_437 : vector<16xi32>
    %convert_element_type3A_439 = arith.fptosi %gather3A_414 : vector<16xf32> to vector<16xi32>
    %jit3A_440 = arith.constant 0 : i32
    %jit3A_441 = arith.constant 7 : i32
    %max3A_442 = vector.broadcast %jit3A_440 : i32 to vector<16xi32>
    %max3A_443 = arith.maxsi %max3A_442, %convert_element_type3A_439 : vector<16xi32>
    %min3A_444 = vector.broadcast %jit3A_441 : i32 to vector<16xi32>
    %min3A_445 = arith.minsi %min3A_444, %max3A_443 : vector<16xi32>
    %add3A_446 = arith.addi %add3A_438, %min3A_445 : vector<16xi32>
    %swap3A_447 = arith.constant 1 : i32
    %swap3A_448 = arith.index_cast %swap3A_447 : i32 to index
    %swap3A_449 = arith.constant 32 : index
    %swap3A_450 = tpu.vector_load %arg6[%swap3A_448, %swap3A_449] {strides = array<i32>} : memref<50x128xi32, #tpu.memory_space<vmem>>, vector<16xi32>,
    tpu.vector_store %arg6[%swap3A_448, %swap3A_449], %add3A_446 {strides = array<i32>} : memref<50x128xi32, #tpu.memory_space<vmem>>, vector<16xi32>,
    %add3A_451 = arith.constant 1408 : i32
    %add3A_452 = vector.broadcast %add3A_451 : i32 to vector<16xi32>
    %add3A_453 = arith.addi %add3A_10, %add3A_452 : vector<16xi32>
    %gather3A_454 = tpu.vector_load_idx %arg5[%add3A_453] : memref<51200xf32, #tpu.memory_space<vmem>>[vector<16xi32>], vector<16xf32>,
    %add3A_455 = arith.constant 8 : i32
    %add3A_456 = arith.addi %mul3A_16, %add3A_455 : i32
    %add3A_457 = arith.constant 3 : i32
    %add3A_458 = arith.addi %add3A_456, %add3A_457 : i32
    %jit3A_459 = arith.constant 32 : i32
    %eq3A_460 = arith.constant 0 : i32
    %eq3A_461 = arith.cmpi eq, %jit3A_459, %eq3A_460 : i32
    %jit3A_462 = arith.constant 1 : i32
    %select_n3A_463 = arith.select %eq3A_461, %jit3A_462, %jit3A_459 : i32
    %rem3A_464 = arith.remsi %add3A_458, %select_n3A_463 : i32
    %ne3A_465 = arith.constant 0 : i32
    %ne3A_466 = arith.cmpi ne, %rem3A_464, %ne3A_465 : i32
    %lt3A_467 = arith.constant 0 : i32
    %lt3A_468 = arith.cmpi slt, %rem3A_464, %lt3A_467 : i32
    %lt3A_469 = arith.constant 0 : i32
    %lt3A_470 = arith.cmpi slt, %select_n3A_463, %lt3A_469 : i32
    %ne3A_471 = arith.xori %lt3A_468, %lt3A_470 : i1
    %and3A_472 = arith.andi %ne3A_471, %ne3A_466 : i1
    %add3A_473 = arith.addi %rem3A_464, %select_n3A_463 : i32
    %select_n3A_474 = arith.select %and3A_472, %add3A_473, %rem3A_464 : i32
    %mul3A_475 = arith.constant 128 : i32
    %mul3A_476 = arith.muli %select_n3A_474, %mul3A_475 : i32
    %add3A_477 = vector.broadcast %mul3A_476 : i32 to vector<16xi32>
    %add3A_478 = arith.addi %mul3A_14, %add3A_477 : vector<16xi32>
    %convert_element_type3A_479 = arith.fptosi %gather3A_454 : vector<16xf32> to vector<16xi32>
    %jit3A_480 = arith.constant 0 : i32
    %jit3A_481 = arith.constant 7 : i32
    %max3A_482 = vector.broadcast %jit3A_480 : i32 to vector<16xi32>
    %max3A_483 = arith.maxsi %max3A_482, %convert_element_type3A_479 : vector<16xi32>
    %min3A_484 = vector.broadcast %jit3A_481 : i32 to vector<16xi32>
    %min3A_485 = arith.minsi %min3A_484, %max3A_483 : vector<16xi32>
    %add3A_486 = arith.addi %add3A_478, %min3A_485 : vector<16xi32>
    %swap3A_487 = arith.constant 1 : i32
    %swap3A_488 = arith.index_cast %swap3A_487 : i32 to index
    %swap3A_489 = arith.constant 48 : index
    %swap3A_490 = tpu.vector_load %arg6[%swap3A_488, %swap3A_489] {strides = array<i32>} : memref<50x128xi32, #tpu.memory_space<vmem>>, vector<16xi32>,
    tpu.vector_store %arg6[%swap3A_488, %swap3A_489], %add3A_486 {strides = array<i32>} : memref<50x128xi32, #tpu.memory_space<vmem>>, vector<16xi32>,
    %add3A_491 = arith.constant 1536 : i32
    %add3A_492 = vector.broadcast %add3A_491 : i32 to vector<16xi32>
    %add3A_493 = arith.addi %add3A_10, %add3A_492 : vector<16xi32>
    %gather3A_494 = tpu.vector_load_idx %arg5[%add3A_493] : memref<51200xf32, #tpu.memory_space<vmem>>[vector<16xi32>], vector<16xf32>,
    %add3A_495 = arith.constant 8 : i32
    %add3A_496 = arith.addi %mul3A_16, %add3A_495 : i32
    %add3A_497 = arith.constant 4 : i32
    %add3A_498 = arith.addi %add3A_496, %add3A_497 : i32
    %jit3A_499 = arith.constant 32 : i32
    %eq3A_500 = arith.constant 0 : i32
    %eq3A_501 = arith.cmpi eq, %jit3A_499, %eq3A_500 : i32
    %jit3A_502 = arith.constant 1 : i32
    %select_n3A_503 = arith.select %eq3A_501, %jit3A_502, %jit3A_499 : i32
    %rem3A_504 = arith.remsi %add3A_498, %select_n3A_503 : i32
    %ne3A_505 = arith.constant 0 : i32
    %ne3A_506 = arith.cmpi ne, %rem3A_504, %ne3A_505 : i32
    %lt3A_507 = arith.constant 0 : i32
    %lt3A_508 = arith.cmpi slt, %rem3A_504, %lt3A_507 : i32
    %lt3A_509 = arith.constant 0 : i32
    %lt3A_510 = arith.cmpi slt, %select_n3A_503, %lt3A_509 : i32
    %ne3A_511 = arith.xori %lt3A_508, %lt3A_510 : i1
    %and3A_512 = arith.andi %ne3A_511, %ne3A_506 : i1
    %add3A_513 = arith.addi %rem3A_504, %select_n3A_503 : i32
    %select_n3A_514 = arith.select %and3A_512, %add3A_513, %rem3A_504 : i32
    %mul3A_515 = arith.constant 128 : i32
    %mul3A_516 = arith.muli %select_n3A_514, %mul3A_515 : i32
    %add3A_517 = vector.broadcast %mul3A_516 : i32 to vector<16xi32>
    %add3A_518 = arith.addi %mul3A_14, %add3A_517 : vector<16xi32>
    %convert_element_type3A_519 = arith.fptosi %gather3A_494 : vector<16xf32> to vector<16xi32>
    %jit3A_520 = arith.constant 0 : i32
    %jit3A_521 = arith.constant 7 : i32
    %max3A_522 = vector.broadcast %jit3A_520 : i32 to vector<16xi32>
    %max3A_523 = arith.maxsi %max3A_522, %convert_element_type3A_519 : vector<16xi32>
    %min3A_524 = vector.broadcast %jit3A_521 : i32 to vector<16xi32>
    %min3A_525 = arith.minsi %min3A_524, %max3A_523 : vector<16xi32>
    %add3A_526 = arith.addi %add3A_518, %min3A_525 : vector<16xi32>
    %swap3A_527 = arith.constant 1 : i32
    %swap3A_528 = arith.index_cast %swap3A_527 : i32 to index
    %swap3A_529 = arith.constant 64 : index
    %swap3A_530 = tpu.vector_load %arg6[%swap3A_528, %swap3A_529] {strides = array<i32>} : memref<50x128xi32, #tpu.memory_space<vmem>>, vector<16xi32>,
    tpu.vector_store %arg6[%swap3A_528, %swap3A_529], %add3A_526 {strides = array<i32>} : memref<50x128xi32, #tpu.memory_space<vmem>>, vector<16xi32>,
    %add3A_531 = arith.constant 1664 : i32
    %add3A_532 = vector.broadcast %add3A_531 : i32 to vector<16xi32>
    %add3A_533 = arith.addi %add3A_10, %add3A_532 : vector<16xi32>
    %gather3A_534 = tpu.vector_load_idx %arg5[%add3A_533] : memref<51200xf32, #tpu.memory_space<vmem>>[vector<16xi32>], vector<16xf32>,
    %add3A_535 = arith.constant 8 : i32
    %add3A_536 = arith.addi %mul3A_16, %add3A_535 : i32
    %add3A_537 = arith.constant 5 : i32
    %add3A_538 = arith.addi %add3A_536, %add3A_537 : i32
    %jit3A_539 = arith.constant 32 : i32
    %eq3A_540 = arith.constant 0 : i32
    %eq3A_541 = arith.cmpi eq, %jit3A_539, %eq3A_540 : i32
    %jit3A_542 = arith.constant 1 : i32
    %select_n3A_543 = arith.select %eq3A_541, %jit3A_542, %jit3A_539 : i32
    %rem3A_544 = arith.remsi %add3A_538, %select_n3A_543 : i32
    %ne3A_545 = arith.constant 0 : i32
    %ne3A_546 = arith.cmpi ne, %rem3A_544, %ne3A_545 : i32
    %lt3A_547 = arith.constant 0 : i32
    %lt3A_548 = arith.cmpi slt, %rem3A_544, %lt3A_547 : i32
    %lt3A_549 = arith.constant 0 : i32
    %lt3A_550 = arith.cmpi slt, %select_n3A_543, %lt3A_549 : i32
    %ne3A_551 = arith.xori %lt3A_548, %lt3A_550 : i1
    %and3A_552 = arith.andi %ne3A_551, %ne3A_546 : i1
    %add3A_553 = arith.addi %rem3A_544, %select_n3A_543 : i32
    %select_n3A_554 = arith.select %and3A_552, %add3A_553, %rem3A_544 : i32
    %mul3A_555 = arith.constant 128 : i32
    %mul3A_556 = arith.muli %select_n3A_554, %mul3A_555 : i32
    %add3A_557 = vector.broadcast %mul3A_556 : i32 to vector<16xi32>
    %add3A_558 = arith.addi %mul3A_14, %add3A_557 : vector<16xi32>
    %convert_element_type3A_559 = arith.fptosi %gather3A_534 : vector<16xf32> to vector<16xi32>
    %jit3A_560 = arith.constant 0 : i32
    %jit3A_561 = arith.constant 7 : i32
    %max3A_562 = vector.broadcast %jit3A_560 : i32 to vector<16xi32>
    %max3A_563 = arith.maxsi %max3A_562, %convert_element_type3A_559 : vector<16xi32>
    %min3A_564 = vector.broadcast %jit3A_561 : i32 to vector<16xi32>
    %min3A_565 = arith.minsi %min3A_564, %max3A_563 : vector<16xi32>
    %add3A_566 = arith.addi %add3A_558, %min3A_565 : vector<16xi32>
    %swap3A_567 = arith.constant 1 : i32
    %swap3A_568 = arith.index_cast %swap3A_567 : i32 to index
    %swap3A_569 = arith.constant 80 : index
    %swap3A_570 = tpu.vector_load %arg6[%swap3A_568, %swap3A_569] {strides = array<i32>} : memref<50x128xi32, #tpu.memory_space<vmem>>, vector<16xi32>,
    tpu.vector_store %arg6[%swap3A_568, %swap3A_569], %add3A_566 {strides = array<i32>} : memref<50x128xi32, #tpu.memory_space<vmem>>, vector<16xi32>,
    %add3A_571 = arith.constant 1792 : i32
    %add3A_572 = vector.broadcast %add3A_571 : i32 to vector<16xi32>
    %add3A_573 = arith.addi %add3A_10, %add3A_572 : vector<16xi32>
    %gather3A_574 = tpu.vector_load_idx %arg5[%add3A_573] : memref<51200xf32, #tpu.memory_space<vmem>>[vector<16xi32>], vector<16xf32>,
    %add3A_575 = arith.constant 8 : i32
    %add3A_576 = arith.addi %mul3A_16, %add3A_575 : i32
    %add3A_577 = arith.constant 6 : i32
    %add3A_578 = arith.addi %add3A_576, %add3A_577 : i32
    %jit3A_579 = arith.constant 32 : i32
    %eq3A_580 = arith.constant 0 : i32
    %eq3A_581 = arith.cmpi eq, %jit3A_579, %eq3A_580 : i32
    %jit3A_582 = arith.constant 1 : i32
    %select_n3A_583 = arith.select %eq3A_581, %jit3A_582, %jit3A_579 : i32
    %rem3A_584 = arith.remsi %add3A_578, %select_n3A_583 : i32
    %ne3A_585 = arith.constant 0 : i32
    %ne3A_586 = arith.cmpi ne, %rem3A_584, %ne3A_585 : i32
    %lt3A_587 = arith.constant 0 : i32
    %lt3A_588 = arith.cmpi slt, %rem3A_584, %lt3A_587 : i32
    %lt3A_589 = arith.constant 0 : i32
    %lt3A_590 = arith.cmpi slt, %select_n3A_583, %lt3A_589 : i32
    %ne3A_591 = arith.xori %lt3A_588, %lt3A_590 : i1
    %and3A_592 = arith.andi %ne3A_591, %ne3A_586 : i1
    %add3A_593 = arith.addi %rem3A_584, %select_n3A_583 : i32
    %select_n3A_594 = arith.select %and3A_592, %add3A_593, %rem3A_584 : i32
    %mul3A_595 = arith.constant 128 : i32
    %mul3A_596 = arith.muli %select_n3A_594, %mul3A_595 : i32
    %add3A_597 = vector.broadcast %mul3A_596 : i32 to vector<16xi32>
    %add3A_598 = arith.addi %mul3A_14, %add3A_597 : vector<16xi32>
    %convert_element_type3A_599 = arith.fptosi %gather3A_574 : vector<16xf32> to vector<16xi32>
    %jit3A_600 = arith.constant 0 : i32
    %jit3A_601 = arith.constant 7 : i32
    %max3A_602 = vector.broadcast %jit3A_600 : i32 to vector<16xi32>
    %max3A_603 = arith.maxsi %max3A_602, %convert_element_type3A_599 : vector<16xi32>
    %min3A_604 = vector.broadcast %jit3A_601 : i32 to vector<16xi32>
    %min3A_605 = arith.minsi %min3A_604, %max3A_603 : vector<16xi32>
    %add3A_606 = arith.addi %add3A_598, %min3A_605 : vector<16xi32>
    %swap3A_607 = arith.constant 1 : i32
    %swap3A_608 = arith.index_cast %swap3A_607 : i32 to index
    %swap3A_609 = arith.constant 96 : index
    %swap3A_610 = tpu.vector_load %arg6[%swap3A_608, %swap3A_609] {strides = array<i32>} : memref<50x128xi32, #tpu.memory_space<vmem>>, vector<16xi32>,
    tpu.vector_store %arg6[%swap3A_608, %swap3A_609], %add3A_606 {strides = array<i32>} : memref<50x128xi32, #tpu.memory_space<vmem>>, vector<16xi32>,
    %add3A_611 = arith.constant 1920 : i32
    %add3A_612 = vector.broadcast %add3A_611 : i32 to vector<16xi32>
    %add3A_613 = arith.addi %add3A_10, %add3A_612 : vector<16xi32>
    %gather3A_614 = tpu.vector_load_idx %arg5[%add3A_613] : memref<51200xf32, #tpu.memory_space<vmem>>[vector<16xi32>], vector<16xf32>,
    %add3A_615 = arith.constant 8 : i32
    %add3A_616 = arith.addi %mul3A_16, %add3A_615 : i32
    %add3A_617 = arith.constant 7 : i32
    %add3A_618 = arith.addi %add3A_616, %add3A_617 : i32
    %jit3A_619 = arith.constant 32 : i32
    %eq3A_620 = arith.constant 0 : i32
    %eq3A_621 = arith.cmpi eq, %jit3A_619, %eq3A_620 : i32
    %jit3A_622 = arith.constant 1 : i32
    %select_n3A_623 = arith.select %eq3A_621, %jit3A_622, %jit3A_619 : i32
    %rem3A_624 = arith.remsi %add3A_618, %select_n3A_623 : i32
    %ne3A_625 = arith.constant 0 : i32
    %ne3A_626 = arith.cmpi ne, %rem3A_624, %ne3A_625 : i32
    %lt3A_627 = arith.constant 0 : i32
    %lt3A_628 = arith.cmpi slt, %rem3A_624, %lt3A_627 : i32
    %lt3A_629 = arith.constant 0 : i32
    %lt3A_630 = arith.cmpi slt, %select_n3A_623, %lt3A_629 : i32
    %ne3A_631 = arith.xori %lt3A_628, %lt3A_630 : i1
    %and3A_632 = arith.andi %ne3A_631, %ne3A_626 : i1
    %add3A_633 = arith.addi %rem3A_624, %select_n3A_623 : i32
    %select_n3A_634 = arith.select %and3A_632, %add3A_633, %rem3A_624 : i32
    %mul3A_635 = arith.constant 128 : i32
    %mul3A_636 = arith.muli %select_n3A_634, %mul3A_635 : i32
    %add3A_637 = vector.broadcast %mul3A_636 : i32 to vector<16xi32>
    %add3A_638 = arith.addi %mul3A_14, %add3A_637 : vector<16xi32>
    %convert_element_type3A_639 = arith.fptosi %gather3A_614 : vector<16xf32> to vector<16xi32>
    %jit3A_640 = arith.constant 0 : i32
    %jit3A_641 = arith.constant 7 : i32
    %max3A_642 = vector.broadcast %jit3A_640 : i32 to vector<16xi32>
    %max3A_643 = arith.maxsi %max3A_642, %convert_element_type3A_639 : vector<16xi32>
    %min3A_644 = vector.broadcast %jit3A_641 : i32 to vector<16xi32>
    %min3A_645 = arith.minsi %min3A_644, %max3A_643 : vector<16xi32>
    %add3A_646 = arith.addi %add3A_638, %min3A_645 : vector<16xi32>
    %swap3A_647 = arith.constant 1 : i32
    %swap3A_648 = arith.index_cast %swap3A_647 : i32 to index
    %swap3A_649 = arith.constant 112 : index
    %swap3A_650 = tpu.vector_load %arg6[%swap3A_648, %swap3A_649] {strides = array<i32>} : memref<50x128xi32, #tpu.memory_space<vmem>>, vector<16xi32>,
    tpu.vector_store %arg6[%swap3A_648, %swap3A_649], %add3A_646 {strides = array<i32>} : memref<50x128xi32, #tpu.memory_space<vmem>>, vector<16xi32>,
    %dma_start3A_651 = arith.constant 1 : i32
    %dma_start3A_652 = arith.constant 0 : i32
    %dma_start3A_653 = tpu.memref_slice %arg6[%dma_start3A_651, %dma_start3A_652] : memref<50x128xi32, #tpu.memory_space<vmem>> -> memref<1x128xi32, #tpu.memory_space<vmem>>
    %dma_start3A_654 = tpu.memref_squeeze %dma_start3A_653 : memref<1x128xi32, #tpu.memory_space<vmem>> -> memref<128xi32, #tpu.memory_space<vmem>>
    %dma_start3A_655 = arith.constant 0 : i32
    %dma_start3A_656 = arith.constant 0 : i32
    %dma_start3A_657 = tpu.memref_slice %arg3[%dma_start3A_655, %dma_start3A_656] : memref<4096x256xf32, #tpu.memory_space<hbm>> -> memref<4096x256xf32, #tpu.memory_space<hbm>>
    tpu.enqueue_indirect_dma source(%dma_start3A_657 : memref<4096x256xf32, #tpu.memory_space<hbm>>) target(%arg8 : memref<128x256xf32, #tpu.memory_space<vmem>>) offsets(%dma_start3A_654 : memref<128xi32, #tpu.memory_space<vmem>>) semaphore(%arg10 : memref<!tpu.dma_semaphore, #tpu.memory_space<semaphore_mem>>)
    %scan3A = arith.constant 0 : i32
    %scan3A_658 = arith.constant 0 : i32
    %scan3A_659 = arith.constant 25 : i32
    %scan3A_660 = arith.addi %scan3A_658, %scan3A_659 : i32
    %scan3A_661 = arith.constant 1 : i32
    scf.for %scan3A_674 = %scan3A_658 to %scan3A_660 step %scan3A_661  : i32 {
      %mul3A_675 = arith.constant 2 : i32
      %mul3A_676 = arith.muli %scan3A_674, %mul3A_675 : i32
      %add3A_677 = arith.constant 0 : i32
      %add3A_678 = arith.addi %mul3A_676, %add3A_677 : i32
      %add3A_679 = arith.constant 2 : i32
      %add3A_680 = arith.addi %add3A_678, %add3A_679 : i32
      %lt3A_681 = arith.constant 50 : i32
      %lt3A_682 = arith.cmpi slt, %add3A_680, %lt3A_681 : i32
      %convert_element_type3A_683 = arith.extui %lt3A_682 : i1 to i32
      %cond3A = arith.constant 0 : i32
      %cond3A_684 = arith.cmpi ne, %convert_element_type3A_683, %cond3A : i32
      scf.if %cond3A_684 {
        %add3A_736 = arith.constant 2 : i32
        %add3A_737 = arith.addi %add3A_678, %add3A_736 : i32
        %mul3A_738 = arith.constant 1024 : i32
        %mul3A_739 = arith.muli %add3A_737, %mul3A_738 : i32
        %add3A_740 = arith.constant 0 : i32
        %add3A_741 = arith.addi %mul3A_739, %add3A_740 : i32
        %add3A_742 = vector.broadcast %add3A_741 : i32 to vector<16xi32>
        %add3A_743 = arith.addi %add3A_10, %add3A_742 : vector<16xi32>
        %gather3A_744 = tpu.vector_load_idx %arg5[%add3A_743] : memref<51200xf32, #tpu.memory_space<vmem>>[vector<16xi32>], vector<16xf32>,
        %mul3A_745 = arith.constant 8 : i32
        %mul3A_746 = arith.muli %add3A_737, %mul3A_745 : i32
        %add3A_747 = arith.addi %mul3A_16, %mul3A_746 : i32
        %add3A_748 = arith.constant 0 : i32
        %add3A_749 = arith.addi %add3A_747, %add3A_748 : i32
        %jit3A_750 = arith.constant 32 : i32
        %eq3A_751 = arith.constant 0 : i32
        %eq3A_752 = arith.cmpi eq, %jit3A_750, %eq3A_751 : i32
        %jit3A_753 = arith.constant 1 : i32
        %select_n3A_754 = arith.select %eq3A_752, %jit3A_753, %jit3A_750 : i32
        %rem3A_755 = arith.remsi %add3A_749, %select_n3A_754 : i32
        %ne3A_756 = arith.constant 0 : i32
        %ne3A_757 = arith.cmpi ne, %rem3A_755, %ne3A_756 : i32
        %lt3A_758 = arith.constant 0 : i32
        %lt3A_759 = arith.cmpi slt, %rem3A_755, %lt3A_758 : i32
        %lt3A_760 = arith.constant 0 : i32
        %lt3A_761 = arith.cmpi slt, %select_n3A_754, %lt3A_760 : i32
        %ne3A_762 = arith.xori %lt3A_759, %lt3A_761 : i1
        %and3A_763 = arith.andi %ne3A_762, %ne3A_757 : i1
        %add3A_764 = arith.addi %rem3A_755, %select_n3A_754 : i32
        %select_n3A_765 = arith.select %and3A_763, %add3A_764, %rem3A_755 : i32
        %mul3A_766 = arith.constant 128 : i32
        %mul3A_767 = arith.muli %select_n3A_765, %mul3A_766 : i32
        %add3A_768 = vector.broadcast %mul3A_767 : i32 to vector<16xi32>
        %add3A_769 = arith.addi %mul3A_14, %add3A_768 : vector<16xi32>
        %convert_element_type3A_770 = arith.fptosi %gather3A_744 : vector<16xf32> to vector<16xi32>
        %jit3A_771 = arith.constant 0 : i32
        %jit3A_772 = arith.constant 7 : i32
        %max3A_773 = vector.broadcast %jit3A_771 : i32 to vector<16xi32>
        %max3A_774 = arith.maxsi %max3A_773, %convert_element_type3A_770 : vector<16xi32>
        %min3A_775 = vector.broadcast %jit3A_772 : i32 to vector<16xi32>
        %min3A_776 = arith.minsi %min3A_775, %max3A_774 : vector<16xi32>
        %add3A_777 = arith.addi %add3A_769, %min3A_776 : vector<16xi32>
        %swap3A_778 = arith.index_cast %add3A_737 : i32 to index
        %swap3A_779 = arith.constant 0 : index
        %swap3A_780 = tpu.vector_load %arg6[%swap3A_778, %swap3A_779] {strides = array<i32>} : memref<50x128xi32, #tpu.memory_space<vmem>>, vector<16xi32>,
        tpu.vector_store %arg6[%swap3A_778, %swap3A_779], %add3A_777 {strides = array<i32>} : memref<50x128xi32, #tpu.memory_space<vmem>>, vector<16xi32>,
        %mul3A_781 = arith.constant 1024 : i32
        %mul3A_782 = arith.muli %add3A_737, %mul3A_781 : i32
        %add3A_783 = arith.constant 128 : i32
        %add3A_784 = arith.addi %mul3A_782, %add3A_783 : i32
        %add3A_785 = vector.broadcast %add3A_784 : i32 to vector<16xi32>
        %add3A_786 = arith.addi %add3A_10, %add3A_785 : vector<16xi32>
        %gather3A_787 = tpu.vector_load_idx %arg5[%add3A_786] : memref<51200xf32, #tpu.memory_space<vmem>>[vector<16xi32>], vector<16xf32>,
        %mul3A_788 = arith.constant 8 : i32
        %mul3A_789 = arith.muli %add3A_737, %mul3A_788 : i32
        %add3A_790 = arith.addi %mul3A_16, %mul3A_789 : i32
        %add3A_791 = arith.constant 1 : i32
        %add3A_792 = arith.addi %add3A_790, %add3A_791 : i32
        %jit3A_793 = arith.constant 32 : i32
        %eq3A_794 = arith.constant 0 : i32
        %eq3A_795 = arith.cmpi eq, %jit3A_793, %eq3A_794 : i32
        %jit3A_796 = arith.constant 1 : i32
        %select_n3A_797 = arith.select %eq3A_795, %jit3A_796, %jit3A_793 : i32
        %rem3A_798 = arith.remsi %add3A_792, %select_n3A_797 : i32
        %ne3A_799 = arith.constant 0 : i32
        %ne3A_800 = arith.cmpi ne, %rem3A_798, %ne3A_799 : i32
        %lt3A_801 = arith.constant 0 : i32
        %lt3A_802 = arith.cmpi slt, %rem3A_798, %lt3A_801 : i32
        %lt3A_803 = arith.constant 0 : i32
        %lt3A_804 = arith.cmpi slt, %select_n3A_797, %lt3A_803 : i32
        %ne3A_805 = arith.xori %lt3A_802, %lt3A_804 : i1
        %and3A_806 = arith.andi %ne3A_805, %ne3A_800 : i1
        %add3A_807 = arith.addi %rem3A_798, %select_n3A_797 : i32
        %select_n3A_808 = arith.select %and3A_806, %add3A_807, %rem3A_798 : i32
        %mul3A_809 = arith.constant 128 : i32
        %mul3A_810 = arith.muli %select_n3A_808, %mul3A_809 : i32
        %add3A_811 = vector.broadcast %mul3A_810 : i32 to vector<16xi32>
        %add3A_812 = arith.addi %mul3A_14, %add3A_811 : vector<16xi32>
        %convert_element_type3A_813 = arith.fptosi %gather3A_787 : vector<16xf32> to vector<16xi32>
        %jit3A_814 = arith.constant 0 : i32
        %jit3A_815 = arith.constant 7 : i32
        %max3A_816 = vector.broadcast %jit3A_814 : i32 to vector<16xi32>
        %max3A_817 = arith.maxsi %max3A_816, %convert_element_type3A_813 : vector<16xi32>
        %min3A_818 = vector.broadcast %jit3A_815 : i32 to vector<16xi32>
        %min3A_819 = arith.minsi %min3A_818, %max3A_817 : vector<16xi32>
        %add3A_820 = arith.addi %add3A_812, %min3A_819 : vector<16xi32>
        %swap3A_821 = arith.index_cast %add3A_737 : i32 to index
        %swap3A_822 = arith.constant 16 : index
        %swap3A_823 = tpu.vector_load %arg6[%swap3A_821, %swap3A_822] {strides = array<i32>} : memref<50x128xi32, #tpu.memory_space<vmem>>, vector<16xi32>,
        tpu.vector_store %arg6[%swap3A_821, %swap3A_822], %add3A_820 {strides = array<i32>} : memref<50x128xi32, #tpu.memory_space<vmem>>, vector<16xi32>,
        %mul3A_824 = arith.constant 1024 : i32
        %mul3A_825 = arith.muli %add3A_737, %mul3A_824 : i32
        %add3A_826 = arith.constant 256 : i32
        %add3A_827 = arith.addi %mul3A_825, %add3A_826 : i32
        %add3A_828 = vector.broadcast %add3A_827 : i32 to vector<16xi32>
        %add3A_829 = arith.addi %add3A_10, %add3A_828 : vector<16xi32>
        %gather3A_830 = tpu.vector_load_idx %arg5[%add3A_829] : memref<51200xf32, #tpu.memory_space<vmem>>[vector<16xi32>], vector<16xf32>,
        %mul3A_831 = arith.constant 8 : i32
        %mul3A_832 = arith.muli %add3A_737, %mul3A_831 : i32
        %add3A_833 = arith.addi %mul3A_16, %mul3A_832 : i32
        %add3A_834 = arith.constant 2 : i32
        %add3A_835 = arith.addi %add3A_833, %add3A_834 : i32
        %jit3A_836 = arith.constant 32 : i32
        %eq3A_837 = arith.constant 0 : i32
        %eq3A_838 = arith.cmpi eq, %jit3A_836, %eq3A_837 : i32
        %jit3A_839 = arith.constant 1 : i32
        %select_n3A_840 = arith.select %eq3A_838, %jit3A_839, %jit3A_836 : i32
        %rem3A_841 = arith.remsi %add3A_835, %select_n3A_840 : i32
        %ne3A_842 = arith.constant 0 : i32
        %ne3A_843 = arith.cmpi ne, %rem3A_841, %ne3A_842 : i32
        %lt3A_844 = arith.constant 0 : i32
        %lt3A_845 = arith.cmpi slt, %rem3A_841, %lt3A_844 : i32
        %lt3A_846 = arith.constant 0 : i32
        %lt3A_847 = arith.cmpi slt, %select_n3A_840, %lt3A_846 : i32
        %ne3A_848 = arith.xori %lt3A_845, %lt3A_847 : i1
        %and3A_849 = arith.andi %ne3A_848, %ne3A_843 : i1
        %add3A_850 = arith.addi %rem3A_841, %select_n3A_840 : i32
        %select_n3A_851 = arith.select %and3A_849, %add3A_850, %rem3A_841 : i32
        %mul3A_852 = arith.constant 128 : i32
        %mul3A_853 = arith.muli %select_n3A_851, %mul3A_852 : i32
        %add3A_854 = vector.broadcast %mul3A_853 : i32 to vector<16xi32>
        %add3A_855 = arith.addi %mul3A_14, %add3A_854 : vector<16xi32>
        %convert_element_type3A_856 = arith.fptosi %gather3A_830 : vector<16xf32> to vector<16xi32>
        %jit3A_857 = arith.constant 0 : i32
        %jit3A_858 = arith.constant 7 : i32
        %max3A_859 = vector.broadcast %jit3A_857 : i32 to vector<16xi32>
        %max3A_860 = arith.maxsi %max3A_859, %convert_element_type3A_856 : vector<16xi32>
        %min3A_861 = vector.broadcast %jit3A_858 : i32 to vector<16xi32>
        %min3A_862 = arith.minsi %min3A_861, %max3A_860 : vector<16xi32>
        %add3A_863 = arith.addi %add3A_855, %min3A_862 : vector<16xi32>
        %swap3A_864 = arith.index_cast %add3A_737 : i32 to index
        %swap3A_865 = arith.constant 32 : index
        %swap3A_866 = tpu.vector_load %arg6[%swap3A_864, %swap3A_865] {strides = array<i32>} : memref<50x128xi32, #tpu.memory_space<vmem>>, vector<16xi32>,
        tpu.vector_store %arg6[%swap3A_864, %swap3A_865], %add3A_863 {strides = array<i32>} : memref<50x128xi32, #tpu.memory_space<vmem>>, vector<16xi32>,
        %mul3A_867 = arith.constant 1024 : i32
        %mul3A_868 = arith.muli %add3A_737, %mul3A_867 : i32
        %add3A_869 = arith.constant 384 : i32
        %add3A_870 = arith.addi %mul3A_868, %add3A_869 : i32
        %add3A_871 = vector.broadcast %add3A_870 : i32 to vector<16xi32>
        %add3A_872 = arith.addi %add3A_10, %add3A_871 : vector<16xi32>
        %gather3A_873 = tpu.vector_load_idx %arg5[%add3A_872] : memref<51200xf32, #tpu.memory_space<vmem>>[vector<16xi32>], vector<16xf32>,
        %mul3A_874 = arith.constant 8 : i32
        %mul3A_875 = arith.muli %add3A_737, %mul3A_874 : i32
        %add3A_876 = arith.addi %mul3A_16, %mul3A_875 : i32
        %add3A_877 = arith.constant 3 : i32
        %add3A_878 = arith.addi %add3A_876, %add3A_877 : i32
        %jit3A_879 = arith.constant 32 : i32
        %eq3A_880 = arith.constant 0 : i32
        %eq3A_881 = arith.cmpi eq, %jit3A_879, %eq3A_880 : i32
        %jit3A_882 = arith.constant 1 : i32
        %select_n3A_883 = arith.select %eq3A_881, %jit3A_882, %jit3A_879 : i32
        %rem3A_884 = arith.remsi %add3A_878, %select_n3A_883 : i32
        %ne3A_885 = arith.constant 0 : i32
        %ne3A_886 = arith.cmpi ne, %rem3A_884, %ne3A_885 : i32
        %lt3A_887 = arith.constant 0 : i32
        %lt3A_888 = arith.cmpi slt, %rem3A_884, %lt3A_887 : i32
        %lt3A_889 = arith.constant 0 : i32
        %lt3A_890 = arith.cmpi slt, %select_n3A_883, %lt3A_889 : i32
        %ne3A_891 = arith.xori %lt3A_888, %lt3A_890 : i1
        %and3A_892 = arith.andi %ne3A_891, %ne3A_886 : i1
        %add3A_893 = arith.addi %rem3A_884, %select_n3A_883 : i32
        %select_n3A_894 = arith.select %and3A_892, %add3A_893, %rem3A_884 : i32
        %mul3A_895 = arith.constant 128 : i32
        %mul3A_896 = arith.muli %select_n3A_894, %mul3A_895 : i32
        %add3A_897 = vector.broadcast %mul3A_896 : i32 to vector<16xi32>
        %add3A_898 = arith.addi %mul3A_14, %add3A_897 : vector<16xi32>
        %convert_element_type3A_899 = arith.fptosi %gather3A_873 : vector<16xf32> to vector<16xi32>
        %jit3A_900 = arith.constant 0 : i32
        %jit3A_901 = arith.constant 7 : i32
        %max3A_902 = vector.broadcast %jit3A_900 : i32 to vector<16xi32>
        %max3A_903 = arith.maxsi %max3A_902, %convert_element_type3A_899 : vector<16xi32>
        %min3A_904 = vector.broadcast %jit3A_901 : i32 to vector<16xi32>
        %min3A_905 = arith.minsi %min3A_904, %max3A_903 : vector<16xi32>
        %add3A_906 = arith.addi %add3A_898, %min3A_905 : vector<16xi32>
        %swap3A_907 = arith.index_cast %add3A_737 : i32 to index
        %swap3A_908 = arith.constant 48 : index
        %swap3A_909 = tpu.vector_load %arg6[%swap3A_907, %swap3A_908] {strides = array<i32>} : memref<50x128xi32, #tpu.memory_space<vmem>>, vector<16xi32>,
        tpu.vector_store %arg6[%swap3A_907, %swap3A_908], %add3A_906 {strides = array<i32>} : memref<50x128xi32, #tpu.memory_space<vmem>>, vector<16xi32>,
        %mul3A_910 = arith.constant 1024 : i32
        %mul3A_911 = arith.muli %add3A_737, %mul3A_910 : i32
        %add3A_912 = arith.constant 512 : i32
        %add3A_913 = arith.addi %mul3A_911, %add3A_912 : i32
        %add3A_914 = vector.broadcast %add3A_913 : i32 to vector<16xi32>
        %add3A_915 = arith.addi %add3A_10, %add3A_914 : vector<16xi32>
        %gather3A_916 = tpu.vector_load_idx %arg5[%add3A_915] : memref<51200xf32, #tpu.memory_space<vmem>>[vector<16xi32>], vector<16xf32>,
        %mul3A_917 = arith.constant 8 : i32
        %mul3A_918 = arith.muli %add3A_737, %mul3A_917 : i32
        %add3A_919 = arith.addi %mul3A_16, %mul3A_918 : i32
        %add3A_920 = arith.constant 4 : i32
        %add3A_921 = arith.addi %add3A_919, %add3A_920 : i32
        %jit3A_922 = arith.constant 32 : i32
        %eq3A_923 = arith.constant 0 : i32
        %eq3A_924 = arith.cmpi eq, %jit3A_922, %eq3A_923 : i32
        %jit3A_925 = arith.constant 1 : i32
        %select_n3A_926 = arith.select %eq3A_924, %jit3A_925, %jit3A_922 : i32
        %rem3A_927 = arith.remsi %add3A_921, %select_n3A_926 : i32
        %ne3A_928 = arith.constant 0 : i32
        %ne3A_929 = arith.cmpi ne, %rem3A_927, %ne3A_928 : i32
        %lt3A_930 = arith.constant 0 : i32
        %lt3A_931 = arith.cmpi slt, %rem3A_927, %lt3A_930 : i32
        %lt3A_932 = arith.constant 0 : i32
        %lt3A_933 = arith.cmpi slt, %select_n3A_926, %lt3A_932 : i32
        %ne3A_934 = arith.xori %lt3A_931, %lt3A_933 : i1
        %and3A_935 = arith.andi %ne3A_934, %ne3A_929 : i1
        %add3A_936 = arith.addi %rem3A_927, %select_n3A_926 : i32
        %select_n3A_937 = arith.select %and3A_935, %add3A_936, %rem3A_927 : i32
        %mul3A_938 = arith.constant 128 : i32
        %mul3A_939 = arith.muli %select_n3A_937, %mul3A_938 : i32
        %add3A_940 = vector.broadcast %mul3A_939 : i32 to vector<16xi32>
        %add3A_941 = arith.addi %mul3A_14, %add3A_940 : vector<16xi32>
        %convert_element_type3A_942 = arith.fptosi %gather3A_916 : vector<16xf32> to vector<16xi32>
        %jit3A_943 = arith.constant 0 : i32
        %jit3A_944 = arith.constant 7 : i32
        %max3A_945 = vector.broadcast %jit3A_943 : i32 to vector<16xi32>
        %max3A_946 = arith.maxsi %max3A_945, %convert_element_type3A_942 : vector<16xi32>
        %min3A_947 = vector.broadcast %jit3A_944 : i32 to vector<16xi32>
        %min3A_948 = arith.minsi %min3A_947, %max3A_946 : vector<16xi32>
        %add3A_949 = arith.addi %add3A_941, %min3A_948 : vector<16xi32>
        %swap3A_950 = arith.index_cast %add3A_737 : i32 to index
        %swap3A_951 = arith.constant 64 : index
        %swap3A_952 = tpu.vector_load %arg6[%swap3A_950, %swap3A_951] {strides = array<i32>} : memref<50x128xi32, #tpu.memory_space<vmem>>, vector<16xi32>,
        tpu.vector_store %arg6[%swap3A_950, %swap3A_951], %add3A_949 {strides = array<i32>} : memref<50x128xi32, #tpu.memory_space<vmem>>, vector<16xi32>,
        %mul3A_953 = arith.constant 1024 : i32
        %mul3A_954 = arith.muli %add3A_737, %mul3A_953 : i32
        %add3A_955 = arith.constant 640 : i32
        %add3A_956 = arith.addi %mul3A_954, %add3A_955 : i32
        %add3A_957 = vector.broadcast %add3A_956 : i32 to vector<16xi32>
        %add3A_958 = arith.addi %add3A_10, %add3A_957 : vector<16xi32>
        %gather3A_959 = tpu.vector_load_idx %arg5[%add3A_958] : memref<51200xf32, #tpu.memory_space<vmem>>[vector<16xi32>], vector<16xf32>,
        %mul3A_960 = arith.constant 8 : i32
        %mul3A_961 = arith.muli %add3A_737, %mul3A_960 : i32
        %add3A_962 = arith.addi %mul3A_16, %mul3A_961 : i32
        %add3A_963 = arith.constant 5 : i32
        %add3A_964 = arith.addi %add3A_962, %add3A_963 : i32
        %jit3A_965 = arith.constant 32 : i32
        %eq3A_966 = arith.constant 0 : i32
        %eq3A_967 = arith.cmpi eq, %jit3A_965, %eq3A_966 : i32
        %jit3A_968 = arith.constant 1 : i32
        %select_n3A_969 = arith.select %eq3A_967, %jit3A_968, %jit3A_965 : i32
        %rem3A_970 = arith.remsi %add3A_964, %select_n3A_969 : i32
        %ne3A_971 = arith.constant 0 : i32
        %ne3A_972 = arith.cmpi ne, %rem3A_970, %ne3A_971 : i32
        %lt3A_973 = arith.constant 0 : i32
        %lt3A_974 = arith.cmpi slt, %rem3A_970, %lt3A_973 : i32
        %lt3A_975 = arith.constant 0 : i32
        %lt3A_976 = arith.cmpi slt, %select_n3A_969, %lt3A_975 : i32
        %ne3A_977 = arith.xori %lt3A_974, %lt3A_976 : i1
        %and3A_978 = arith.andi %ne3A_977, %ne3A_972 : i1
        %add3A_979 = arith.addi %rem3A_970, %select_n3A_969 : i32
        %select_n3A_980 = arith.select %and3A_978, %add3A_979, %rem3A_970 : i32
        %mul3A_981 = arith.constant 128 : i32
        %mul3A_982 = arith.muli %select_n3A_980, %mul3A_981 : i32
        %add3A_983 = vector.broadcast %mul3A_982 : i32 to vector<16xi32>
        %add3A_984 = arith.addi %mul3A_14, %add3A_983 : vector<16xi32>
        %convert_element_type3A_985 = arith.fptosi %gather3A_959 : vector<16xf32> to vector<16xi32>
        %jit3A_986 = arith.constant 0 : i32
        %jit3A_987 = arith.constant 7 : i32
        %max3A_988 = vector.broadcast %jit3A_986 : i32 to vector<16xi32>
        %max3A_989 = arith.maxsi %max3A_988, %convert_element_type3A_985 : vector<16xi32>
        %min3A_990 = vector.broadcast %jit3A_987 : i32 to vector<16xi32>
        %min3A_991 = arith.minsi %min3A_990, %max3A_989 : vector<16xi32>
        %add3A_992 = arith.addi %add3A_984, %min3A_991 : vector<16xi32>
        %swap3A_993 = arith.index_cast %add3A_737 : i32 to index
        %swap3A_994 = arith.constant 80 : index
        %swap3A_995 = tpu.vector_load %arg6[%swap3A_993, %swap3A_994] {strides = array<i32>} : memref<50x128xi32, #tpu.memory_space<vmem>>, vector<16xi32>,
        tpu.vector_store %arg6[%swap3A_993, %swap3A_994], %add3A_992 {strides = array<i32>} : memref<50x128xi32, #tpu.memory_space<vmem>>, vector<16xi32>,
        %mul3A_996 = arith.constant 1024 : i32
        %mul3A_997 = arith.muli %add3A_737, %mul3A_996 : i32
        %add3A_998 = arith.constant 768 : i32
        %add3A_999 = arith.addi %mul3A_997, %add3A_998 : i32
        %add3A_1000 = vector.broadcast %add3A_999 : i32 to vector<16xi32>
        %add3A_1001 = arith.addi %add3A_10, %add3A_1000 : vector<16xi32>
        %gather3A_1002 = tpu.vector_load_idx %arg5[%add3A_1001] : memref<51200xf32, #tpu.memory_space<vmem>>[vector<16xi32>], vector<16xf32>,
        %mul3A_1003 = arith.constant 8 : i32
        %mul3A_1004 = arith.muli %add3A_737, %mul3A_1003 : i32
        %add3A_1005 = arith.addi %mul3A_16, %mul3A_1004 : i32
        %add3A_1006 = arith.constant 6 : i32
        %add3A_1007 = arith.addi %add3A_1005, %add3A_1006 : i32
        %jit3A_1008 = arith.constant 32 : i32
        %eq3A_1009 = arith.constant 0 : i32
        %eq3A_1010 = arith.cmpi eq, %jit3A_1008, %eq3A_1009 : i32
        %jit3A_1011 = arith.constant 1 : i32
        %select_n3A_1012 = arith.select %eq3A_1010, %jit3A_1011, %jit3A_1008 : i32
        %rem3A_1013 = arith.remsi %add3A_1007, %select_n3A_1012 : i32
        %ne3A_1014 = arith.constant 0 : i32
        %ne3A_1015 = arith.cmpi ne, %rem3A_1013, %ne3A_1014 : i32
        %lt3A_1016 = arith.constant 0 : i32
        %lt3A_1017 = arith.cmpi slt, %rem3A_1013, %lt3A_1016 : i32
        %lt3A_1018 = arith.constant 0 : i32
        %lt3A_1019 = arith.cmpi slt, %select_n3A_1012, %lt3A_1018 : i32
        %ne3A_1020 = arith.xori %lt3A_1017, %lt3A_1019 : i1
        %and3A_1021 = arith.andi %ne3A_1020, %ne3A_1015 : i1
        %add3A_1022 = arith.addi %rem3A_1013, %select_n3A_1012 : i32
        %select_n3A_1023 = arith.select %and3A_1021, %add3A_1022, %rem3A_1013 : i32
        %mul3A_1024 = arith.constant 128 : i32
        %mul3A_1025 = arith.muli %select_n3A_1023, %mul3A_1024 : i32
        %add3A_1026 = vector.broadcast %mul3A_1025 : i32 to vector<16xi32>
        %add3A_1027 = arith.addi %mul3A_14, %add3A_1026 : vector<16xi32>
        %convert_element_type3A_1028 = arith.fptosi %gather3A_1002 : vector<16xf32> to vector<16xi32>
        %jit3A_1029 = arith.constant 0 : i32
        %jit3A_1030 = arith.constant 7 : i32
        %max3A_1031 = vector.broadcast %jit3A_1029 : i32 to vector<16xi32>
        %max3A_1032 = arith.maxsi %max3A_1031, %convert_element_type3A_1028 : vector<16xi32>
        %min3A_1033 = vector.broadcast %jit3A_1030 : i32 to vector<16xi32>
        %min3A_1034 = arith.minsi %min3A_1033, %max3A_1032 : vector<16xi32>
        %add3A_1035 = arith.addi %add3A_1027, %min3A_1034 : vector<16xi32>
        %swap3A_1036 = arith.index_cast %add3A_737 : i32 to index
        %swap3A_1037 = arith.constant 96 : index
        %swap3A_1038 = tpu.vector_load %arg6[%swap3A_1036, %swap3A_1037] {strides = array<i32>} : memref<50x128xi32, #tpu.memory_space<vmem>>, vector<16xi32>,
        tpu.vector_store %arg6[%swap3A_1036, %swap3A_1037], %add3A_1035 {strides = array<i32>} : memref<50x128xi32, #tpu.memory_space<vmem>>, vector<16xi32>,
        %mul3A_1039 = arith.constant 1024 : i32
        %mul3A_1040 = arith.muli %add3A_737, %mul3A_1039 : i32
        %add3A_1041 = arith.constant 896 : i32
        %add3A_1042 = arith.addi %mul3A_1040, %add3A_1041 : i32
        %add3A_1043 = vector.broadcast %add3A_1042 : i32 to vector<16xi32>
        %add3A_1044 = arith.addi %add3A_10, %add3A_1043 : vector<16xi32>
        %gather3A_1045 = tpu.vector_load_idx %arg5[%add3A_1044] : memref<51200xf32, #tpu.memory_space<vmem>>[vector<16xi32>], vector<16xf32>,
        %mul3A_1046 = arith.constant 8 : i32
        %mul3A_1047 = arith.muli %add3A_737, %mul3A_1046 : i32
        %add3A_1048 = arith.addi %mul3A_16, %mul3A_1047 : i32
        %add3A_1049 = arith.constant 7 : i32
        %add3A_1050 = arith.addi %add3A_1048, %add3A_1049 : i32
        %jit3A_1051 = arith.constant 32 : i32
        %eq3A_1052 = arith.constant 0 : i32
        %eq3A_1053 = arith.cmpi eq, %jit3A_1051, %eq3A_1052 : i32
        %jit3A_1054 = arith.constant 1 : i32
        %select_n3A_1055 = arith.select %eq3A_1053, %jit3A_1054, %jit3A_1051 : i32
        %rem3A_1056 = arith.remsi %add3A_1050, %select_n3A_1055 : i32
        %ne3A_1057 = arith.constant 0 : i32
        %ne3A_1058 = arith.cmpi ne, %rem3A_1056, %ne3A_1057 : i32
        %lt3A_1059 = arith.constant 0 : i32
        %lt3A_1060 = arith.cmpi slt, %rem3A_1056, %lt3A_1059 : i32
        %lt3A_1061 = arith.constant 0 : i32
        %lt3A_1062 = arith.cmpi slt, %select_n3A_1055, %lt3A_1061 : i32
        %ne3A_1063 = arith.xori %lt3A_1060, %lt3A_1062 : i1
        %and3A_1064 = arith.andi %ne3A_1063, %ne3A_1058 : i1
        %add3A_1065 = arith.addi %rem3A_1056, %select_n3A_1055 : i32
        %select_n3A_1066 = arith.select %and3A_1064, %add3A_1065, %rem3A_1056 : i32
        %mul3A_1067 = arith.constant 128 : i32
        %mul3A_1068 = arith.muli %select_n3A_1066, %mul3A_1067 : i32
        %add3A_1069 = vector.broadcast %mul3A_1068 : i32 to vector<16xi32>
        %add3A_1070 = arith.addi %mul3A_14, %add3A_1069 : vector<16xi32>
        %convert_element_type3A_1071 = arith.fptosi %gather3A_1045 : vector<16xf32> to vector<16xi32>
        %jit3A_1072 = arith.constant 0 : i32
        %jit3A_1073 = arith.constant 7 : i32
        %max3A_1074 = vector.broadcast %jit3A_1072 : i32 to vector<16xi32>
        %max3A_1075 = arith.maxsi %max3A_1074, %convert_element_type3A_1071 : vector<16xi32>
        %min3A_1076 = vector.broadcast %jit3A_1073 : i32 to vector<16xi32>
        %min3A_1077 = arith.minsi %min3A_1076, %max3A_1075 : vector<16xi32>
        %add3A_1078 = arith.addi %add3A_1070, %min3A_1077 : vector<16xi32>
        %swap3A_1079 = arith.index_cast %add3A_737 : i32 to index
        %swap3A_1080 = arith.constant 112 : index
        %swap3A_1081 = tpu.vector_load %arg6[%swap3A_1079, %swap3A_1080] {strides = array<i32>} : memref<50x128xi32, #tpu.memory_space<vmem>>, vector<16xi32>,
        tpu.vector_store %arg6[%swap3A_1079, %swap3A_1080], %add3A_1078 {strides = array<i32>} : memref<50x128xi32, #tpu.memory_space<vmem>>, vector<16xi32>,
      } else {
      }
      %dma_wait3A_685 = arith.constant 0 : i32
      %dma_wait3A_686 = tpu.memref_slice %arg6[%add3A_678, %dma_wait3A_685] : memref<50x128xi32, #tpu.memory_space<vmem>> -> memref<1x128xi32, #tpu.memory_space<vmem>>
      %dma_wait3A_687 = tpu.memref_squeeze %dma_wait3A_686 : memref<1x128xi32, #tpu.memory_space<vmem>> -> memref<128xi32, #tpu.memory_space<vmem>>
      %dma_wait3A_688 = arith.constant 0 : i32
      %dma_wait3A_689 = arith.constant 0 : i32
      %dma_wait3A_690 = tpu.memref_slice %arg3[%dma_wait3A_688, %dma_wait3A_689] : memref<4096x256xf32, #tpu.memory_space<hbm>> -> memref<4096x256xf32, #tpu.memory_space<hbm>>
      tpu.wait_indirect_dma semaphore(%arg9 : memref<!tpu.dma_semaphore, #tpu.memory_space<semaphore_mem>>) src(%dma_wait3A_690 : memref<4096x256xf32, #tpu.memory_space<hbm>>) dst(%arg7 : memref<128x256xf32, #tpu.memory_space<vmem>>)
      %mul3A_691 = arith.constant 128 : i32
      %mul3A_692 = arith.muli %add3A_678, %mul3A_691 : i32
      %add3A_693 = arith.addi %mul3A_2, %mul3A_692 : i32
      %dma_start3A_694 = arith.constant 0 : i32
      %dma_start3A_695 = tpu.memref_slice %arg4[%add3A_693, %dma_start3A_694] : memref<204800x256xf32, #tpu.memory_space<hbm>> -> memref<128x256xf32, #tpu.memory_space<hbm>>
      %dma_start3A_696 = arith.constant 0 : i32
      %dma_start3A_697 = tpu.memref_slice %arg4[%add3A_693, %dma_start3A_696] : memref<204800x256xf32, #tpu.memory_space<hbm>> -> memref<128x256xf32, #tpu.memory_space<hbm>>
      tpu.enqueue_dma source(%arg7 : memref<128x256xf32, #tpu.memory_space<vmem>>) target(%dma_start3A_697 : memref<128x256xf32, #tpu.memory_space<hbm>>) target_semaphore(%arg11 : memref<!tpu.dma_semaphore, #tpu.memory_space<semaphore_mem>>)
      %add3A_698 = arith.constant 2 : i32
      %add3A_699 = arith.addi %add3A_678, %add3A_698 : i32
      %lt3A_700 = arith.constant 50 : i32
      %lt3A_701 = arith.cmpi slt, %add3A_699, %lt3A_700 : i32
      %convert_element_type3A_702 = arith.extui %lt3A_701 : i1 to i32
      %cond3A_703 = arith.constant 0 : i32
      %cond3A_704 = arith.cmpi ne, %convert_element_type3A_702, %cond3A_703 : i32
      scf.if %cond3A_704 {
        %mul3A_736 = arith.constant 128 : i32
        %mul3A_737 = arith.muli %add3A_678, %mul3A_736 : i32
        %add3A_738 = arith.addi %mul3A_2, %mul3A_737 : i32
        %dma_wait3A_739 = arith.constant 0 : i32
        %dma_wait3A_740 = tpu.memref_slice %arg4[%add3A_738, %dma_wait3A_739] : memref<204800x256xf32, #tpu.memory_space<hbm>> -> memref<128x256xf32, #tpu.memory_space<hbm>>
        %dma_wait3A_741 = arith.constant 0 : i32
        %dma_wait3A_742 = tpu.memref_slice %arg4[%add3A_738, %dma_wait3A_741] : memref<204800x256xf32, #tpu.memory_space<hbm>> -> memref<128x256xf32, #tpu.memory_space<hbm>>
        tpu.wait_dma2 semaphore(%arg11 : memref<!tpu.dma_semaphore, #tpu.memory_space<semaphore_mem>>) src(%arg7 : memref<128x256xf32, #tpu.memory_space<vmem>>) dst(%dma_wait3A_742 : memref<128x256xf32, #tpu.memory_space<hbm>>)
        %add3A_743 = arith.constant 2 : i32
        %add3A_744 = arith.addi %add3A_678, %add3A_743 : i32
        %dma_start3A_745 = arith.constant 0 : i32
        %dma_start3A_746 = tpu.memref_slice %arg6[%add3A_744, %dma_start3A_745] : memref<50x128xi32, #tpu.memory_space<vmem>> -> memref<1x128xi32, #tpu.memory_space<vmem>>
        %dma_start3A_747 = tpu.memref_squeeze %dma_start3A_746 : memref<1x128xi32, #tpu.memory_space<vmem>> -> memref<128xi32, #tpu.memory_space<vmem>>
        %dma_start3A_748 = arith.constant 0 : i32
        %dma_start3A_749 = arith.constant 0 : i32
        %dma_start3A_750 = tpu.memref_slice %arg3[%dma_start3A_748, %dma_start3A_749] : memref<4096x256xf32, #tpu.memory_space<hbm>> -> memref<4096x256xf32, #tpu.memory_space<hbm>>
        tpu.enqueue_indirect_dma source(%dma_start3A_750 : memref<4096x256xf32, #tpu.memory_space<hbm>>) target(%arg7 : memref<128x256xf32, #tpu.memory_space<vmem>>) offsets(%dma_start3A_747 : memref<128xi32, #tpu.memory_space<vmem>>) semaphore(%arg9 : memref<!tpu.dma_semaphore, #tpu.memory_space<semaphore_mem>>)
      } else {
      }
      %mul3A_705 = arith.constant 2 : i32
      %mul3A_706 = arith.muli %scan3A_674, %mul3A_705 : i32
      %add3A_707 = arith.constant 1 : i32
      %add3A_708 = arith.addi %mul3A_706, %add3A_707 : i32
      %add3A_709 = arith.constant 2 : i32
      %add3A_710 = arith.addi %add3A_708, %add3A_709 : i32
      %lt3A_711 = arith.constant 50 : i32
      %lt3A_712 = arith.cmpi slt, %add3A_710, %lt3A_711 : i32
      %convert_element_type3A_713 = arith.extui %lt3A_712 : i1 to i32
      %cond3A_714 = arith.constant 0 : i32
      %cond3A_715 = arith.cmpi ne, %convert_element_type3A_713, %cond3A_714 : i32
      scf.if %cond3A_715 {
        %add3A_736 = arith.constant 2 : i32
        %add3A_737 = arith.addi %add3A_708, %add3A_736 : i32
        %mul3A_738 = arith.constant 1024 : i32
        %mul3A_739 = arith.muli %add3A_737, %mul3A_738 : i32
        %add3A_740 = arith.constant 0 : i32
        %add3A_741 = arith.addi %mul3A_739, %add3A_740 : i32
        %add3A_742 = vector.broadcast %add3A_741 : i32 to vector<16xi32>
        %add3A_743 = arith.addi %add3A_10, %add3A_742 : vector<16xi32>
        %gather3A_744 = tpu.vector_load_idx %arg5[%add3A_743] : memref<51200xf32, #tpu.memory_space<vmem>>[vector<16xi32>], vector<16xf32>,
        %mul3A_745 = arith.constant 8 : i32
        %mul3A_746 = arith.muli %add3A_737, %mul3A_745 : i32
        %add3A_747 = arith.addi %mul3A_16, %mul3A_746 : i32
        %add3A_748 = arith.constant 0 : i32
        %add3A_749 = arith.addi %add3A_747, %add3A_748 : i32
        %jit3A_750 = arith.constant 32 : i32
        %eq3A_751 = arith.constant 0 : i32
        %eq3A_752 = arith.cmpi eq, %jit3A_750, %eq3A_751 : i32
        %jit3A_753 = arith.constant 1 : i32
        %select_n3A_754 = arith.select %eq3A_752, %jit3A_753, %jit3A_750 : i32
        %rem3A_755 = arith.remsi %add3A_749, %select_n3A_754 : i32
        %ne3A_756 = arith.constant 0 : i32
        %ne3A_757 = arith.cmpi ne, %rem3A_755, %ne3A_756 : i32
        %lt3A_758 = arith.constant 0 : i32
        %lt3A_759 = arith.cmpi slt, %rem3A_755, %lt3A_758 : i32
        %lt3A_760 = arith.constant 0 : i32
        %lt3A_761 = arith.cmpi slt, %select_n3A_754, %lt3A_760 : i32
        %ne3A_762 = arith.xori %lt3A_759, %lt3A_761 : i1
        %and3A_763 = arith.andi %ne3A_762, %ne3A_757 : i1
        %add3A_764 = arith.addi %rem3A_755, %select_n3A_754 : i32
        %select_n3A_765 = arith.select %and3A_763, %add3A_764, %rem3A_755 : i32
        %mul3A_766 = arith.constant 128 : i32
        %mul3A_767 = arith.muli %select_n3A_765, %mul3A_766 : i32
        %add3A_768 = vector.broadcast %mul3A_767 : i32 to vector<16xi32>
        %add3A_769 = arith.addi %mul3A_14, %add3A_768 : vector<16xi32>
        %convert_element_type3A_770 = arith.fptosi %gather3A_744 : vector<16xf32> to vector<16xi32>
        %jit3A_771 = arith.constant 0 : i32
        %jit3A_772 = arith.constant 7 : i32
        %max3A_773 = vector.broadcast %jit3A_771 : i32 to vector<16xi32>
        %max3A_774 = arith.maxsi %max3A_773, %convert_element_type3A_770 : vector<16xi32>
        %min3A_775 = vector.broadcast %jit3A_772 : i32 to vector<16xi32>
        %min3A_776 = arith.minsi %min3A_775, %max3A_774 : vector<16xi32>
        %add3A_777 = arith.addi %add3A_769, %min3A_776 : vector<16xi32>
        %swap3A_778 = arith.index_cast %add3A_737 : i32 to index
        %swap3A_779 = arith.constant 0 : index
        %swap3A_780 = tpu.vector_load %arg6[%swap3A_778, %swap3A_779] {strides = array<i32>} : memref<50x128xi32, #tpu.memory_space<vmem>>, vector<16xi32>,
        tpu.vector_store %arg6[%swap3A_778, %swap3A_779], %add3A_777 {strides = array<i32>} : memref<50x128xi32, #tpu.memory_space<vmem>>, vector<16xi32>,
        %mul3A_781 = arith.constant 1024 : i32
        %mul3A_782 = arith.muli %add3A_737, %mul3A_781 : i32
        %add3A_783 = arith.constant 128 : i32
        %add3A_784 = arith.addi %mul3A_782, %add3A_783 : i32
        %add3A_785 = vector.broadcast %add3A_784 : i32 to vector<16xi32>
        %add3A_786 = arith.addi %add3A_10, %add3A_785 : vector<16xi32>
        %gather3A_787 = tpu.vector_load_idx %arg5[%add3A_786] : memref<51200xf32, #tpu.memory_space<vmem>>[vector<16xi32>], vector<16xf32>,
        %mul3A_788 = arith.constant 8 : i32
        %mul3A_789 = arith.muli %add3A_737, %mul3A_788 : i32
        %add3A_790 = arith.addi %mul3A_16, %mul3A_789 : i32
        %add3A_791 = arith.constant 1 : i32
        %add3A_792 = arith.addi %add3A_790, %add3A_791 : i32
        %jit3A_793 = arith.constant 32 : i32
        %eq3A_794 = arith.constant 0 : i32
        %eq3A_795 = arith.cmpi eq, %jit3A_793, %eq3A_794 : i32
        %jit3A_796 = arith.constant 1 : i32
        %select_n3A_797 = arith.select %eq3A_795, %jit3A_796, %jit3A_793 : i32
        %rem3A_798 = arith.remsi %add3A_792, %select_n3A_797 : i32
        %ne3A_799 = arith.constant 0 : i32
        %ne3A_800 = arith.cmpi ne, %rem3A_798, %ne3A_799 : i32
        %lt3A_801 = arith.constant 0 : i32
        %lt3A_802 = arith.cmpi slt, %rem3A_798, %lt3A_801 : i32
        %lt3A_803 = arith.constant 0 : i32
        %lt3A_804 = arith.cmpi slt, %select_n3A_797, %lt3A_803 : i32
        %ne3A_805 = arith.xori %lt3A_802, %lt3A_804 : i1
        %and3A_806 = arith.andi %ne3A_805, %ne3A_800 : i1
        %add3A_807 = arith.addi %rem3A_798, %select_n3A_797 : i32
        %select_n3A_808 = arith.select %and3A_806, %add3A_807, %rem3A_798 : i32
        %mul3A_809 = arith.constant 128 : i32
        %mul3A_810 = arith.muli %select_n3A_808, %mul3A_809 : i32
        %add3A_811 = vector.broadcast %mul3A_810 : i32 to vector<16xi32>
        %add3A_812 = arith.addi %mul3A_14, %add3A_811 : vector<16xi32>
        %convert_element_type3A_813 = arith.fptosi %gather3A_787 : vector<16xf32> to vector<16xi32>
        %jit3A_814 = arith.constant 0 : i32
        %jit3A_815 = arith.constant 7 : i32
        %max3A_816 = vector.broadcast %jit3A_814 : i32 to vector<16xi32>
        %max3A_817 = arith.maxsi %max3A_816, %convert_element_type3A_813 : vector<16xi32>
        %min3A_818 = vector.broadcast %jit3A_815 : i32 to vector<16xi32>
        %min3A_819 = arith.minsi %min3A_818, %max3A_817 : vector<16xi32>
        %add3A_820 = arith.addi %add3A_812, %min3A_819 : vector<16xi32>
        %swap3A_821 = arith.index_cast %add3A_737 : i32 to index
        %swap3A_822 = arith.constant 16 : index
        %swap3A_823 = tpu.vector_load %arg6[%swap3A_821, %swap3A_822] {strides = array<i32>} : memref<50x128xi32, #tpu.memory_space<vmem>>, vector<16xi32>,
        tpu.vector_store %arg6[%swap3A_821, %swap3A_822], %add3A_820 {strides = array<i32>} : memref<50x128xi32, #tpu.memory_space<vmem>>, vector<16xi32>,
        %mul3A_824 = arith.constant 1024 : i32
        %mul3A_825 = arith.muli %add3A_737, %mul3A_824 : i32
        %add3A_826 = arith.constant 256 : i32
        %add3A_827 = arith.addi %mul3A_825, %add3A_826 : i32
        %add3A_828 = vector.broadcast %add3A_827 : i32 to vector<16xi32>
        %add3A_829 = arith.addi %add3A_10, %add3A_828 : vector<16xi32>
        %gather3A_830 = tpu.vector_load_idx %arg5[%add3A_829] : memref<51200xf32, #tpu.memory_space<vmem>>[vector<16xi32>], vector<16xf32>,
        %mul3A_831 = arith.constant 8 : i32
        %mul3A_832 = arith.muli %add3A_737, %mul3A_831 : i32
        %add3A_833 = arith.addi %mul3A_16, %mul3A_832 : i32
        %add3A_834 = arith.constant 2 : i32
        %add3A_835 = arith.addi %add3A_833, %add3A_834 : i32
        %jit3A_836 = arith.constant 32 : i32
        %eq3A_837 = arith.constant 0 : i32
        %eq3A_838 = arith.cmpi eq, %jit3A_836, %eq3A_837 : i32
        %jit3A_839 = arith.constant 1 : i32
        %select_n3A_840 = arith.select %eq3A_838, %jit3A_839, %jit3A_836 : i32
        %rem3A_841 = arith.remsi %add3A_835, %select_n3A_840 : i32
        %ne3A_842 = arith.constant 0 : i32
        %ne3A_843 = arith.cmpi ne, %rem3A_841, %ne3A_842 : i32
        %lt3A_844 = arith.constant 0 : i32
        %lt3A_845 = arith.cmpi slt, %rem3A_841, %lt3A_844 : i32
        %lt3A_846 = arith.constant 0 : i32
        %lt3A_847 = arith.cmpi slt, %select_n3A_840, %lt3A_846 : i32
        %ne3A_848 = arith.xori %lt3A_845, %lt3A_847 : i1
        %and3A_849 = arith.andi %ne3A_848, %ne3A_843 : i1
        %add3A_850 = arith.addi %rem3A_841, %select_n3A_840 : i32
        %select_n3A_851 = arith.select %and3A_849, %add3A_850, %rem3A_841 : i32
        %mul3A_852 = arith.constant 128 : i32
        %mul3A_853 = arith.muli %select_n3A_851, %mul3A_852 : i32
        %add3A_854 = vector.broadcast %mul3A_853 : i32 to vector<16xi32>
        %add3A_855 = arith.addi %mul3A_14, %add3A_854 : vector<16xi32>
        %convert_element_type3A_856 = arith.fptosi %gather3A_830 : vector<16xf32> to vector<16xi32>
        %jit3A_857 = arith.constant 0 : i32
        %jit3A_858 = arith.constant 7 : i32
        %max3A_859 = vector.broadcast %jit3A_857 : i32 to vector<16xi32>
        %max3A_860 = arith.maxsi %max3A_859, %convert_element_type3A_856 : vector<16xi32>
        %min3A_861 = vector.broadcast %jit3A_858 : i32 to vector<16xi32>
        %min3A_862 = arith.minsi %min3A_861, %max3A_860 : vector<16xi32>
        %add3A_863 = arith.addi %add3A_855, %min3A_862 : vector<16xi32>
        %swap3A_864 = arith.index_cast %add3A_737 : i32 to index
        %swap3A_865 = arith.constant 32 : index
        %swap3A_866 = tpu.vector_load %arg6[%swap3A_864, %swap3A_865] {strides = array<i32>} : memref<50x128xi32, #tpu.memory_space<vmem>>, vector<16xi32>,
        tpu.vector_store %arg6[%swap3A_864, %swap3A_865], %add3A_863 {strides = array<i32>} : memref<50x128xi32, #tpu.memory_space<vmem>>, vector<16xi32>,
        %mul3A_867 = arith.constant 1024 : i32
        %mul3A_868 = arith.muli %add3A_737, %mul3A_867 : i32
        %add3A_869 = arith.constant 384 : i32
        %add3A_870 = arith.addi %mul3A_868, %add3A_869 : i32
        %add3A_871 = vector.broadcast %add3A_870 : i32 to vector<16xi32>
        %add3A_872 = arith.addi %add3A_10, %add3A_871 : vector<16xi32>
        %gather3A_873 = tpu.vector_load_idx %arg5[%add3A_872] : memref<51200xf32, #tpu.memory_space<vmem>>[vector<16xi32>], vector<16xf32>,
        %mul3A_874 = arith.constant 8 : i32
        %mul3A_875 = arith.muli %add3A_737, %mul3A_874 : i32
        %add3A_876 = arith.addi %mul3A_16, %mul3A_875 : i32
        %add3A_877 = arith.constant 3 : i32
        %add3A_878 = arith.addi %add3A_876, %add3A_877 : i32
        %jit3A_879 = arith.constant 32 : i32
        %eq3A_880 = arith.constant 0 : i32
        %eq3A_881 = arith.cmpi eq, %jit3A_879, %eq3A_880 : i32
        %jit3A_882 = arith.constant 1 : i32
        %select_n3A_883 = arith.select %eq3A_881, %jit3A_882, %jit3A_879 : i32
        %rem3A_884 = arith.remsi %add3A_878, %select_n3A_883 : i32
        %ne3A_885 = arith.constant 0 : i32
        %ne3A_886 = arith.cmpi ne, %rem3A_884, %ne3A_885 : i32
        %lt3A_887 = arith.constant 0 : i32
        %lt3A_888 = arith.cmpi slt, %rem3A_884, %lt3A_887 : i32
        %lt3A_889 = arith.constant 0 : i32
        %lt3A_890 = arith.cmpi slt, %select_n3A_883, %lt3A_889 : i32
        %ne3A_891 = arith.xori %lt3A_888, %lt3A_890 : i1
        %and3A_892 = arith.andi %ne3A_891, %ne3A_886 : i1
        %add3A_893 = arith.addi %rem3A_884, %select_n3A_883 : i32
        %select_n3A_894 = arith.select %and3A_892, %add3A_893, %rem3A_884 : i32
        %mul3A_895 = arith.constant 128 : i32
        %mul3A_896 = arith.muli %select_n3A_894, %mul3A_895 : i32
        %add3A_897 = vector.broadcast %mul3A_896 : i32 to vector<16xi32>
        %add3A_898 = arith.addi %mul3A_14, %add3A_897 : vector<16xi32>
        %convert_element_type3A_899 = arith.fptosi %gather3A_873 : vector<16xf32> to vector<16xi32>
        %jit3A_900 = arith.constant 0 : i32
        %jit3A_901 = arith.constant 7 : i32
        %max3A_902 = vector.broadcast %jit3A_900 : i32 to vector<16xi32>
        %max3A_903 = arith.maxsi %max3A_902, %convert_element_type3A_899 : vector<16xi32>
        %min3A_904 = vector.broadcast %jit3A_901 : i32 to vector<16xi32>
        %min3A_905 = arith.minsi %min3A_904, %max3A_903 : vector<16xi32>
        %add3A_906 = arith.addi %add3A_898, %min3A_905 : vector<16xi32>
        %swap3A_907 = arith.index_cast %add3A_737 : i32 to index
        %swap3A_908 = arith.constant 48 : index
        %swap3A_909 = tpu.vector_load %arg6[%swap3A_907, %swap3A_908] {strides = array<i32>} : memref<50x128xi32, #tpu.memory_space<vmem>>, vector<16xi32>,
        tpu.vector_store %arg6[%swap3A_907, %swap3A_908], %add3A_906 {strides = array<i32>} : memref<50x128xi32, #tpu.memory_space<vmem>>, vector<16xi32>,
        %mul3A_910 = arith.constant 1024 : i32
        %mul3A_911 = arith.muli %add3A_737, %mul3A_910 : i32
        %add3A_912 = arith.constant 512 : i32
        %add3A_913 = arith.addi %mul3A_911, %add3A_912 : i32
        %add3A_914 = vector.broadcast %add3A_913 : i32 to vector<16xi32>
        %add3A_915 = arith.addi %add3A_10, %add3A_914 : vector<16xi32>
        %gather3A_916 = tpu.vector_load_idx %arg5[%add3A_915] : memref<51200xf32, #tpu.memory_space<vmem>>[vector<16xi32>], vector<16xf32>,
        %mul3A_917 = arith.constant 8 : i32
        %mul3A_918 = arith.muli %add3A_737, %mul3A_917 : i32
        %add3A_919 = arith.addi %mul3A_16, %mul3A_918 : i32
        %add3A_920 = arith.constant 4 : i32
        %add3A_921 = arith.addi %add3A_919, %add3A_920 : i32
        %jit3A_922 = arith.constant 32 : i32
        %eq3A_923 = arith.constant 0 : i32
        %eq3A_924 = arith.cmpi eq, %jit3A_922, %eq3A_923 : i32
        %jit3A_925 = arith.constant 1 : i32
        %select_n3A_926 = arith.select %eq3A_924, %jit3A_925, %jit3A_922 : i32
        %rem3A_927 = arith.remsi %add3A_921, %select_n3A_926 : i32
        %ne3A_928 = arith.constant 0 : i32
        %ne3A_929 = arith.cmpi ne, %rem3A_927, %ne3A_928 : i32
        %lt3A_930 = arith.constant 0 : i32
        %lt3A_931 = arith.cmpi slt, %rem3A_927, %lt3A_930 : i32
        %lt3A_932 = arith.constant 0 : i32
        %lt3A_933 = arith.cmpi slt, %select_n3A_926, %lt3A_932 : i32
        %ne3A_934 = arith.xori %lt3A_931, %lt3A_933 : i1
        %and3A_935 = arith.andi %ne3A_934, %ne3A_929 : i1
        %add3A_936 = arith.addi %rem3A_927, %select_n3A_926 : i32
        %select_n3A_937 = arith.select %and3A_935, %add3A_936, %rem3A_927 : i32
        %mul3A_938 = arith.constant 128 : i32
        %mul3A_939 = arith.muli %select_n3A_937, %mul3A_938 : i32
        %add3A_940 = vector.broadcast %mul3A_939 : i32 to vector<16xi32>
        %add3A_941 = arith.addi %mul3A_14, %add3A_940 : vector<16xi32>
        %convert_element_type3A_942 = arith.fptosi %gather3A_916 : vector<16xf32> to vector<16xi32>
        %jit3A_943 = arith.constant 0 : i32
        %jit3A_944 = arith.constant 7 : i32
        %max3A_945 = vector.broadcast %jit3A_943 : i32 to vector<16xi32>
        %max3A_946 = arith.maxsi %max3A_945, %convert_element_type3A_942 : vector<16xi32>
        %min3A_947 = vector.broadcast %jit3A_944 : i32 to vector<16xi32>
        %min3A_948 = arith.minsi %min3A_947, %max3A_946 : vector<16xi32>
        %add3A_949 = arith.addi %add3A_941, %min3A_948 : vector<16xi32>
        %swap3A_950 = arith.index_cast %add3A_737 : i32 to index
        %swap3A_951 = arith.constant 64 : index
        %swap3A_952 = tpu.vector_load %arg6[%swap3A_950, %swap3A_951] {strides = array<i32>} : memref<50x128xi32, #tpu.memory_space<vmem>>, vector<16xi32>,
        tpu.vector_store %arg6[%swap3A_950, %swap3A_951], %add3A_949 {strides = array<i32>} : memref<50x128xi32, #tpu.memory_space<vmem>>, vector<16xi32>,
        %mul3A_953 = arith.constant 1024 : i32
        %mul3A_954 = arith.muli %add3A_737, %mul3A_953 : i32
        %add3A_955 = arith.constant 640 : i32
        %add3A_956 = arith.addi %mul3A_954, %add3A_955 : i32
        %add3A_957 = vector.broadcast %add3A_956 : i32 to vector<16xi32>
        %add3A_958 = arith.addi %add3A_10, %add3A_957 : vector<16xi32>
        %gather3A_959 = tpu.vector_load_idx %arg5[%add3A_958] : memref<51200xf32, #tpu.memory_space<vmem>>[vector<16xi32>], vector<16xf32>,
        %mul3A_960 = arith.constant 8 : i32
        %mul3A_961 = arith.muli %add3A_737, %mul3A_960 : i32
        %add3A_962 = arith.addi %mul3A_16, %mul3A_961 : i32
        %add3A_963 = arith.constant 5 : i32
        %add3A_964 = arith.addi %add3A_962, %add3A_963 : i32
        %jit3A_965 = arith.constant 32 : i32
        %eq3A_966 = arith.constant 0 : i32
        %eq3A_967 = arith.cmpi eq, %jit3A_965, %eq3A_966 : i32
        %jit3A_968 = arith.constant 1 : i32
        %select_n3A_969 = arith.select %eq3A_967, %jit3A_968, %jit3A_965 : i32
        %rem3A_970 = arith.remsi %add3A_964, %select_n3A_969 : i32
        %ne3A_971 = arith.constant 0 : i32
        %ne3A_972 = arith.cmpi ne, %rem3A_970, %ne3A_971 : i32
        %lt3A_973 = arith.constant 0 : i32
        %lt3A_974 = arith.cmpi slt, %rem3A_970, %lt3A_973 : i32
        %lt3A_975 = arith.constant 0 : i32
        %lt3A_976 = arith.cmpi slt, %select_n3A_969, %lt3A_975 : i32
        %ne3A_977 = arith.xori %lt3A_974, %lt3A_976 : i1
        %and3A_978 = arith.andi %ne3A_977, %ne3A_972 : i1
        %add3A_979 = arith.addi %rem3A_970, %select_n3A_969 : i32
        %select_n3A_980 = arith.select %and3A_978, %add3A_979, %rem3A_970 : i32
        %mul3A_981 = arith.constant 128 : i32
        %mul3A_982 = arith.muli %select_n3A_980, %mul3A_981 : i32
        %add3A_983 = vector.broadcast %mul3A_982 : i32 to vector<16xi32>
        %add3A_984 = arith.addi %mul3A_14, %add3A_983 : vector<16xi32>
        %convert_element_type3A_985 = arith.fptosi %gather3A_959 : vector<16xf32> to vector<16xi32>
        %jit3A_986 = arith.constant 0 : i32
        %jit3A_987 = arith.constant 7 : i32
        %max3A_988 = vector.broadcast %jit3A_986 : i32 to vector<16xi32>
        %max3A_989 = arith.maxsi %max3A_988, %convert_element_type3A_985 : vector<16xi32>
        %min3A_990 = vector.broadcast %jit3A_987 : i32 to vector<16xi32>
        %min3A_991 = arith.minsi %min3A_990, %max3A_989 : vector<16xi32>
        %add3A_992 = arith.addi %add3A_984, %min3A_991 : vector<16xi32>
        %swap3A_993 = arith.index_cast %add3A_737 : i32 to index
        %swap3A_994 = arith.constant 80 : index
        %swap3A_995 = tpu.vector_load %arg6[%swap3A_993, %swap3A_994] {strides = array<i32>} : memref<50x128xi32, #tpu.memory_space<vmem>>, vector<16xi32>,
        tpu.vector_store %arg6[%swap3A_993, %swap3A_994], %add3A_992 {strides = array<i32>} : memref<50x128xi32, #tpu.memory_space<vmem>>, vector<16xi32>,
        %mul3A_996 = arith.constant 1024 : i32
        %mul3A_997 = arith.muli %add3A_737, %mul3A_996 : i32
        %add3A_998 = arith.constant 768 : i32
        %add3A_999 = arith.addi %mul3A_997, %add3A_998 : i32
        %add3A_1000 = vector.broadcast %add3A_999 : i32 to vector<16xi32>
        %add3A_1001 = arith.addi %add3A_10, %add3A_1000 : vector<16xi32>
        %gather3A_1002 = tpu.vector_load_idx %arg5[%add3A_1001] : memref<51200xf32, #tpu.memory_space<vmem>>[vector<16xi32>], vector<16xf32>,
        %mul3A_1003 = arith.constant 8 : i32
        %mul3A_1004 = arith.muli %add3A_737, %mul3A_1003 : i32
        %add3A_1005 = arith.addi %mul3A_16, %mul3A_1004 : i32
        %add3A_1006 = arith.constant 6 : i32
        %add3A_1007 = arith.addi %add3A_1005, %add3A_1006 : i32
        %jit3A_1008 = arith.constant 32 : i32
        %eq3A_1009 = arith.constant 0 : i32
        %eq3A_1010 = arith.cmpi eq, %jit3A_1008, %eq3A_1009 : i32
        %jit3A_1011 = arith.constant 1 : i32
        %select_n3A_1012 = arith.select %eq3A_1010, %jit3A_1011, %jit3A_1008 : i32
        %rem3A_1013 = arith.remsi %add3A_1007, %select_n3A_1012 : i32
        %ne3A_1014 = arith.constant 0 : i32
        %ne3A_1015 = arith.cmpi ne, %rem3A_1013, %ne3A_1014 : i32
        %lt3A_1016 = arith.constant 0 : i32
        %lt3A_1017 = arith.cmpi slt, %rem3A_1013, %lt3A_1016 : i32
        %lt3A_1018 = arith.constant 0 : i32
        %lt3A_1019 = arith.cmpi slt, %select_n3A_1012, %lt3A_1018 : i32
        %ne3A_1020 = arith.xori %lt3A_1017, %lt3A_1019 : i1
        %and3A_1021 = arith.andi %ne3A_1020, %ne3A_1015 : i1
        %add3A_1022 = arith.addi %rem3A_1013, %select_n3A_1012 : i32
        %select_n3A_1023 = arith.select %and3A_1021, %add3A_1022, %rem3A_1013 : i32
        %mul3A_1024 = arith.constant 128 : i32
        %mul3A_1025 = arith.muli %select_n3A_1023, %mul3A_1024 : i32
        %add3A_1026 = vector.broadcast %mul3A_1025 : i32 to vector<16xi32>
        %add3A_1027 = arith.addi %mul3A_14, %add3A_1026 : vector<16xi32>
        %convert_element_type3A_1028 = arith.fptosi %gather3A_1002 : vector<16xf32> to vector<16xi32>
        %jit3A_1029 = arith.constant 0 : i32
        %jit3A_1030 = arith.constant 7 : i32
        %max3A_1031 = vector.broadcast %jit3A_1029 : i32 to vector<16xi32>
        %max3A_1032 = arith.maxsi %max3A_1031, %convert_element_type3A_1028 : vector<16xi32>
        %min3A_1033 = vector.broadcast %jit3A_1030 : i32 to vector<16xi32>
        %min3A_1034 = arith.minsi %min3A_1033, %max3A_1032 : vector<16xi32>
        %add3A_1035 = arith.addi %add3A_1027, %min3A_1034 : vector<16xi32>
        %swap3A_1036 = arith.index_cast %add3A_737 : i32 to index
        %swap3A_1037 = arith.constant 96 : index
        %swap3A_1038 = tpu.vector_load %arg6[%swap3A_1036, %swap3A_1037] {strides = array<i32>} : memref<50x128xi32, #tpu.memory_space<vmem>>, vector<16xi32>,
        tpu.vector_store %arg6[%swap3A_1036, %swap3A_1037], %add3A_1035 {strides = array<i32>} : memref<50x128xi32, #tpu.memory_space<vmem>>, vector<16xi32>,
        %mul3A_1039 = arith.constant 1024 : i32
        %mul3A_1040 = arith.muli %add3A_737, %mul3A_1039 : i32
        %add3A_1041 = arith.constant 896 : i32
        %add3A_1042 = arith.addi %mul3A_1040, %add3A_1041 : i32
        %add3A_1043 = vector.broadcast %add3A_1042 : i32 to vector<16xi32>
        %add3A_1044 = arith.addi %add3A_10, %add3A_1043 : vector<16xi32>
        %gather3A_1045 = tpu.vector_load_idx %arg5[%add3A_1044] : memref<51200xf32, #tpu.memory_space<vmem>>[vector<16xi32>], vector<16xf32>,
        %mul3A_1046 = arith.constant 8 : i32
        %mul3A_1047 = arith.muli %add3A_737, %mul3A_1046 : i32
        %add3A_1048 = arith.addi %mul3A_16, %mul3A_1047 : i32
        %add3A_1049 = arith.constant 7 : i32
        %add3A_1050 = arith.addi %add3A_1048, %add3A_1049 : i32
        %jit3A_1051 = arith.constant 32 : i32
        %eq3A_1052 = arith.constant 0 : i32
        %eq3A_1053 = arith.cmpi eq, %jit3A_1051, %eq3A_1052 : i32
        %jit3A_1054 = arith.constant 1 : i32
        %select_n3A_1055 = arith.select %eq3A_1053, %jit3A_1054, %jit3A_1051 : i32
        %rem3A_1056 = arith.remsi %add3A_1050, %select_n3A_1055 : i32
        %ne3A_1057 = arith.constant 0 : i32
        %ne3A_1058 = arith.cmpi ne, %rem3A_1056, %ne3A_1057 : i32
        %lt3A_1059 = arith.constant 0 : i32
        %lt3A_1060 = arith.cmpi slt, %rem3A_1056, %lt3A_1059 : i32
        %lt3A_1061 = arith.constant 0 : i32
        %lt3A_1062 = arith.cmpi slt, %select_n3A_1055, %lt3A_1061 : i32
        %ne3A_1063 = arith.xori %lt3A_1060, %lt3A_1062 : i1
        %and3A_1064 = arith.andi %ne3A_1063, %ne3A_1058 : i1
        %add3A_1065 = arith.addi %rem3A_1056, %select_n3A_1055 : i32
        %select_n3A_1066 = arith.select %and3A_1064, %add3A_1065, %rem3A_1056 : i32
        %mul3A_1067 = arith.constant 128 : i32
        %mul3A_1068 = arith.muli %select_n3A_1066, %mul3A_1067 : i32
        %add3A_1069 = vector.broadcast %mul3A_1068 : i32 to vector<16xi32>
        %add3A_1070 = arith.addi %mul3A_14, %add3A_1069 : vector<16xi32>
        %convert_element_type3A_1071 = arith.fptosi %gather3A_1045 : vector<16xf32> to vector<16xi32>
        %jit3A_1072 = arith.constant 0 : i32
        %jit3A_1073 = arith.constant 7 : i32
        %max3A_1074 = vector.broadcast %jit3A_1072 : i32 to vector<16xi32>
        %max3A_1075 = arith.maxsi %max3A_1074, %convert_element_type3A_1071 : vector<16xi32>
        %min3A_1076 = vector.broadcast %jit3A_1073 : i32 to vector<16xi32>
        %min3A_1077 = arith.minsi %min3A_1076, %max3A_1075 : vector<16xi32>
        %add3A_1078 = arith.addi %add3A_1070, %min3A_1077 : vector<16xi32>
        %swap3A_1079 = arith.index_cast %add3A_737 : i32 to index
        %swap3A_1080 = arith.constant 112 : index
        %swap3A_1081 = tpu.vector_load %arg6[%swap3A_1079, %swap3A_1080] {strides = array<i32>} : memref<50x128xi32, #tpu.memory_space<vmem>>, vector<16xi32>,
        tpu.vector_store %arg6[%swap3A_1079, %swap3A_1080], %add3A_1078 {strides = array<i32>} : memref<50x128xi32, #tpu.memory_space<vmem>>, vector<16xi32>,
      } else {
      }
      %dma_wait3A_716 = arith.constant 0 : i32
      %dma_wait3A_717 = tpu.memref_slice %arg6[%add3A_708, %dma_wait3A_716] : memref<50x128xi32, #tpu.memory_space<vmem>> -> memref<1x128xi32, #tpu.memory_space<vmem>>
      %dma_wait3A_718 = tpu.memref_squeeze %dma_wait3A_717 : memref<1x128xi32, #tpu.memory_space<vmem>> -> memref<128xi32, #tpu.memory_space<vmem>>
      %dma_wait3A_719 = arith.constant 0 : i32
      %dma_wait3A_720 = arith.constant 0 : i32
      %dma_wait3A_721 = tpu.memref_slice %arg3[%dma_wait3A_719, %dma_wait3A_720] : memref<4096x256xf32, #tpu.memory_space<hbm>> -> memref<4096x256xf32, #tpu.memory_space<hbm>>
      tpu.wait_indirect_dma semaphore(%arg10 : memref<!tpu.dma_semaphore, #tpu.memory_space<semaphore_mem>>) src(%dma_wait3A_721 : memref<4096x256xf32, #tpu.memory_space<hbm>>) dst(%arg8 : memref<128x256xf32, #tpu.memory_space<vmem>>)
      %mul3A_722 = arith.constant 128 : i32
      %mul3A_723 = arith.muli %add3A_708, %mul3A_722 : i32
      %add3A_724 = arith.addi %mul3A_2, %mul3A_723 : i32
      %dma_start3A_725 = arith.constant 0 : i32
      %dma_start3A_726 = tpu.memref_slice %arg4[%add3A_724, %dma_start3A_725] : memref<204800x256xf32, #tpu.memory_space<hbm>> -> memref<128x256xf32, #tpu.memory_space<hbm>>
      %dma_start3A_727 = arith.constant 0 : i32
      %dma_start3A_728 = tpu.memref_slice %arg4[%add3A_724, %dma_start3A_727] : memref<204800x256xf32, #tpu.memory_space<hbm>> -> memref<128x256xf32, #tpu.memory_space<hbm>>
      tpu.enqueue_dma source(%arg8 : memref<128x256xf32, #tpu.memory_space<vmem>>) target(%dma_start3A_728 : memref<128x256xf32, #tpu.memory_space<hbm>>) target_semaphore(%arg12 : memref<!tpu.dma_semaphore, #tpu.memory_space<semaphore_mem>>)
      %add3A_729 = arith.constant 2 : i32
      %add3A_730 = arith.addi %add3A_708, %add3A_729 : i32
      %lt3A_731 = arith.constant 50 : i32
      %lt3A_732 = arith.cmpi slt, %add3A_730, %lt3A_731 : i32
      %convert_element_type3A_733 = arith.extui %lt3A_732 : i1 to i32
      %cond3A_734 = arith.constant 0 : i32
      %cond3A_735 = arith.cmpi ne, %convert_element_type3A_733, %cond3A_734 : i32
      scf.if %cond3A_735 {
        %mul3A_736 = arith.constant 128 : i32
        %mul3A_737 = arith.muli %add3A_708, %mul3A_736 : i32
        %add3A_738 = arith.addi %mul3A_2, %mul3A_737 : i32
        %dma_wait3A_739 = arith.constant 0 : i32
        %dma_wait3A_740 = tpu.memref_slice %arg4[%add3A_738, %dma_wait3A_739] : memref<204800x256xf32, #tpu.memory_space<hbm>> -> memref<128x256xf32, #tpu.memory_space<hbm>>
        %dma_wait3A_741 = arith.constant 0 : i32
        %dma_wait3A_742 = tpu.memref_slice %arg4[%add3A_738, %dma_wait3A_741] : memref<204800x256xf32, #tpu.memory_space<hbm>> -> memref<128x256xf32, #tpu.memory_space<hbm>>
        tpu.wait_dma2 semaphore(%arg12 : memref<!tpu.dma_semaphore, #tpu.memory_space<semaphore_mem>>) src(%arg8 : memref<128x256xf32, #tpu.memory_space<vmem>>) dst(%dma_wait3A_742 : memref<128x256xf32, #tpu.memory_space<hbm>>)
        %add3A_743 = arith.constant 2 : i32
        %add3A_744 = arith.addi %add3A_708, %add3A_743 : i32
        %dma_start3A_745 = arith.constant 0 : i32
        %dma_start3A_746 = tpu.memref_slice %arg6[%add3A_744, %dma_start3A_745] : memref<50x128xi32, #tpu.memory_space<vmem>> -> memref<1x128xi32, #tpu.memory_space<vmem>>
        %dma_start3A_747 = tpu.memref_squeeze %dma_start3A_746 : memref<1x128xi32, #tpu.memory_space<vmem>> -> memref<128xi32, #tpu.memory_space<vmem>>
        %dma_start3A_748 = arith.constant 0 : i32
        %dma_start3A_749 = arith.constant 0 : i32
        %dma_start3A_750 = tpu.memref_slice %arg3[%dma_start3A_748, %dma_start3A_749] : memref<4096x256xf32, #tpu.memory_space<hbm>> -> memref<4096x256xf32, #tpu.memory_space<hbm>>
        tpu.enqueue_indirect_dma source(%dma_start3A_750 : memref<4096x256xf32, #tpu.memory_space<hbm>>) target(%arg8 : memref<128x256xf32, #tpu.memory_space<vmem>>) offsets(%dma_start3A_747 : memref<128xi32, #tpu.memory_space<vmem>>) semaphore(%arg10 : memref<!tpu.dma_semaphore, #tpu.memory_space<semaphore_mem>>)
      } else {
      }
    }
    %scan3A_662 = arith.constant 25 : i32
    %add3A_663 = arith.constant 6144 : i32
    %add3A_664 = arith.addi %mul3A_2, %add3A_663 : i32
    %dma_wait3A = arith.constant 0 : i32
    %dma_wait3A_665 = tpu.memref_slice %arg4[%add3A_664, %dma_wait3A] : memref<204800x256xf32, #tpu.memory_space<hbm>> -> memref<128x256xf32, #tpu.memory_space<hbm>>
    %dma_wait3A_666 = arith.constant 0 : i32
    %dma_wait3A_667 = tpu.memref_slice %arg4[%add3A_664, %dma_wait3A_666] : memref<204800x256xf32, #tpu.memory_space<hbm>> -> memref<128x256xf32, #tpu.memory_space<hbm>>
    tpu.wait_dma2 semaphore(%arg11 : memref<!tpu.dma_semaphore, #tpu.memory_space<semaphore_mem>>) src(%arg7 : memref<128x256xf32, #tpu.memory_space<vmem>>) dst(%dma_wait3A_667 : memref<128x256xf32, #tpu.memory_space<hbm>>)
    %add3A_668 = arith.constant 6272 : i32
    %add3A_669 = arith.addi %mul3A_2, %add3A_668 : i32
    %dma_wait3A_670 = arith.constant 0 : i32
    %dma_wait3A_671 = tpu.memref_slice %arg4[%add3A_669, %dma_wait3A_670] : memref<204800x256xf32, #tpu.memory_space<hbm>> -> memref<128x256xf32, #tpu.memory_space<hbm>>
    %dma_wait3A_672 = arith.constant 0 : i32
    %dma_wait3A_673 = tpu.memref_slice %arg4[%add3A_669, %dma_wait3A_672] : memref<204800x256xf32, #tpu.memory_space<hbm>> -> memref<128x256xf32, #tpu.memory_space<hbm>>
    tpu.wait_dma2 semaphore(%arg12 : memref<!tpu.dma_semaphore, #tpu.memory_space<semaphore_mem>>) src(%arg8 : memref<128x256xf32, #tpu.memory_space<vmem>>) dst(%dma_wait3A_673 : memref<128x256xf32, #tpu.memory_space<hbm>>)
    return
  }
}

</mosaic_0001>

<sc_bundles>
// kernel: _sc_lookup.3.cloned.1.call-start
scs
__scs_entry_jumppad:
0x0: {  	(pc) =	sbr.rel $0x88, $3  }
0x1: {  	(tag) =	ssettag $0x0;
	lr =	simm.s32 $0x1  }
0x2: {  	[smem:$0x3F9F] =	sst lr;
	_ =	strace $0xD0000000  }
0x3: {  	_ = 	snop  }
0x4: {  	_ = 	snop  }
0x5: {  	_ = 	snop  }
0x6: {  	_ = 	snop  }
0x7: {  	_ = 	snop  }
__scs_overlays_trampoline_lowered:
0x8: {  	[smem:$0x3FAE] =	sst s0  }
0x9: {  	[smem:$0x3FAF] =	sst s1  }
0xa: {  	[smem:$0x3FB0] =	sst s2  }
0xb: {  	[smem:$0x3FB1] =	sst s3  }
0xc: {  	[smem:$0x3FB2] =	sst s4  }
0xd: {  	[smem:$0x3FB3] =	sst s5  }
0xe: {  	[smem:$0x3FB4] =	sst s6  }
0xf: {  	[smem:$0x3FB5] =	sst s7  }
0x10: {  	[smem:$0x3FB6] =	sst s8  }
0x11: {  	[smem:$0x3FB7] =	sst s9;
	s0 =	simm.s32 @!p0 $0x0  }
0x12: {  	s1 =	sld [smem:$0x3F9D];
	s0 =	simm.s32 @p0 $0x1  }
0x13: {  	[smem:$0x3FB8] =	sst s0;
	s0 =	simm.s32 @!p1 $0x0  }
0x14: {  	s2 =	sld [smem:$0x3F9C];
	s0 =	simm.s32 @p1 $0x1  }
0x15: {  	[smem:$0x3FB9] =	sst s0;
	s0 =	simm.s32 @!p2 $0x0  }
0x16: {  	s3 =	sld [smem:$0x3FDB];
	s0 =	simm.s32 @p2 $0x1  }
0x17: {  	s4 =	simm.s32 $0x1BF5;
	[smem:$0x3FBB] =	sst s0  }
0x18: {  	s0 =	sld [smem:$0x3F9E];
	_ =	swait.ge [sflag:s4], $0x0  }
0x19: {  	s7 =	sld [smem:$0x3F9F]  }
0x1a: {  	s8 =	sadd.s32 $0xFFFFE003, lr  }
0x1b: {  	s9 =	sadd.s32 $0xFFFFFEF7, lr;
	s5 =	simm.s32 $0xFFFFFFFF;
	p2 =	slt.u32 s8, $0xFFFFF086  }
0x1c: {  	p1 =	slt.u32 s9, $0xF7A;
	s5 =	simm.s32 @!p2 $0x0  }
0x1d: {  	s5 =	simm.s32 @p1 $0x1;
	p0 =	seq.s32 s7, s2  }
0x1e: {  	s7 =	smul.u32 @!p0 $0xF7A, s2;
	p2 =	seq.s32 @!p0 s5, $0x0  }
0x1f: {  	s9 =	smul.u32 $0xF7A, s1;
	s8 =	simm.s32 @!p0 $0x1BF5;
	p2 =	por !p2, p0  }
0x20: {  	[sflag:s8] =	ssyncset.s32 @!p0 $0xFFFFF086;
	s6 =	sadd.s32 @!p0 s3, s7;
	s7 =	simm.s32 @!p0 $0x108  }
0x21: {  	s3 =	sadd.s32 s3, s9;
	s6 =	sadd.s32 @!p0 $0x88, s6;
	s7 =	simm.s32 @p2 $0x1082  }
0x22: {  	[simem:s7], [sflag:s8] =	dma.local @!p0 [hbm:s6], $0xF7A  }
0x23: {  	s9 =	sor.u32 $0xD0000000, s2;
	s6 =	simm.s32 $0x108;
	_ =	swait.ge @!p0 [sflag:s8], $0x0  }
0x24: {  	s3 =	sadd.s32 $0x88, s3;
	s6 =	simm.s32 @!p1 $0x1082;
	[sflag:s4] =	ssyncset.s32 $0xFFFFF086  }
0x25: {  	[simem:s6], [sflag:s4] =	dma.local [hbm:s3], $0xF7A  }
0x26: {  	[smem:$0x3F9F] =	sst s1;
	(tag) =	ssettag s2;
	_ =	strace s9  }
0x27: {  	s1 =	sld [smem:$0x3FAF]  }
0x28: {  	s2 =	sld [smem:$0x3FB0]  }
0x29: {  	s4 =	sld [smem:$0x3FB2]  }
0x2a: {  	p0 =	seq.s32 s5, $0x0;
	s5 =	sld [smem:$0x3FB3]  }
0x2b: {  	s6 =	sld [smem:$0x3FB4]  }
0x2c: {  	s7 =	sld [smem:$0x3FB5]  }
0x2d: {  	s3 =	simm.s32 $0x108;
	s8 =	sld [smem:$0x3FB6]  }
0x2e: {  	s3 =	simm.s32 @!p0 $0x1082;
	s9 =	sld [smem:$0x3FB7]  }
0x2f: {  	lr =	sadd.s32 s0, s3;
	s0 =	sld [smem:$0x3FAE]  }
0x30: {  	s3 =	sld [smem:$0x3FB1]  }
0x31: {  	[smem:$0x3FBA] =	sst s10  }
0x32: {  	s10 =	sld [smem:$0x3FB8];
	_ =	sdelay $0x3  }
0x33: {  	p0 =	seq.s32 s10, $0x1;
	s10 =	sld [smem:$0x3FBA];
	_ =	sdelay $0x3  }
0x34: {  	[smem:$0x3FBA] =	sst s10  }
0x35: {  	s10 =	sld [smem:$0x3FB9];
	_ =	sdelay $0x3  }
0x36: {  	p1 =	seq.s32 s10, $0x1;
	s10 =	sld [smem:$0x3FBA];
	_ =	sdelay $0x3  }
0x37: {  	[smem:$0x3FBA] =	sst s10  }
0x38: {  	s10 =	sld [smem:$0x3FBB]  }
0x39: {  	_ = 	snop;
	(pc) =	sbr.ind lr, $3  }
0x3a: {  	_ = 	snop  }
0x3b: {  	_ = 	snop  }
0x3c: {  	p2 =	seq.s32 s10, $0x1;
	s10 =	sld [smem:$0x3FBA]  }
0x3d: {  	_ =	shalt  }
0x3e: {  	_ =	shalt  }
0x3f: {  	_ =	shalt  }
0x40: {  	_ =	shalt  }
0x41: {  	_ =	shalt  }
0x42: {  	_ =	shalt  }
0x43: {  	_ =	shalt  }
0x44: {  	_ =	shalt  }
0x45: {  	_ =	shalt  }
0x46: {  	_ =	shalt  }
0x47: {  	_ =	shalt  }
0x48: {  	_ =	shalt  }
0x49: {  	_ =	shalt  }
0x4a: {  	_ =	shalt  }
0x4b: {  	_ =	shalt  }
0x4c: {  	_ =	shalt  }
0x4d: {  	_ =	shalt  }
0x4e: {  	_ =	shalt  }
0x4f: {  	_ =	shalt  }
0x50: {  	_ =	shalt  }
0x51: {  	_ =	shalt  }
0x52: {  	_ =	shalt  }
0x53: {  	_ =	shalt  }
0x54: {  	_ =	shalt  }
0x55: {  	_ =	shalt  }
0x56: {  	_ =	shalt  }
0x57: {  	_ =	shalt  }
0x58: {  	_ =	shalt  }
0x59: {  	_ =	shalt  }
0x5a: {  	_ =	shalt  }
0x5b: {  	_ =	shalt  }
0x5c: {  	_ =	shalt  }
0x5d: {  	_ =	shalt  }
0x5e: {  	_ =	shalt  }
0x5f: {  	_ =	shalt  }
0x60: {  	_ =	shalt  }
0x61: {  	_ =	shalt  }
0x62: {  	_ =	shalt  }
0x63: {  	_ =	shalt  }
0x64: {  	_ =	shalt  }
0x65: {  	_ =	shalt  }
0x66: {  	_ =	shalt  }
0x67: {  	_ =	shalt  }
0x68: {  	_ =	shalt  }
0x69: {  	_ =	shalt  }
0x6a: {  	_ =	shalt  }
0x6b: {  	_ =	shalt  }
0x6c: {  	_ =	shalt  }
0x6d: {  	_ =	shalt  }
0x6e: {  	_ =	shalt  }
0x6f: {  	_ =	shalt  }
0x70: {  	_ =	shalt  }
0x71: {  	_ =	shalt  }
0x72: {  	_ =	shalt  }
0x73: {  	_ =	shalt  }
0x74: {  	_ =	shalt  }
0x75: {  	_ =	shalt  }
0x76: {  	_ =	shalt  }
0x77: {  	_ =	shalt  }
0x78: {  	_ =	shalt  }
0x79: {  	_ =	shalt  }
0x7a: {  	_ =	shalt  }
0x7b: {  	_ =	shalt  }
0x7c: {  	_ =	shalt  }
0x7d: {  	_ =	shalt  }
0x7e: {  	_ =	shalt  }
0x7f: {  	_ =	shalt  }
0x80: {  	_ =	shalt  }
0x81: {  	_ =	shalt  }
0x82: {  	_ =	shalt  }
0x83: {  	_ =	shalt  }
0x84: {  	_ =	shalt  }
0x85: {  	_ =	shalt  }
0x86: {  	_ =	shalt  }
0x87: {  	_ =	shalt  }
.Lfunc_end0:
.L_simem_size_0:
called_computation_lowered:
.L_overlay_start_0:
0x88: {  	s2 =	sld [smem:$0x3FD9]  }
0x89: {  	s3 =	sld [smem:$0x3FFE];
	_ =	sdelay $0x1  }
0x8a: {  	s1 =	srdreg.scid  }
0x8b: {  	s0 =	sand.u32 $0x1, s1  }
0x8c: {  	s18 =	sshll.u32 s0, $0xA;
	s2 =	sadd.s32 s3, s2  }
0x8d: {  	s2 =	sadd.s32 s2, s18  }
0x8e: {  	[smem:$0x3FC6] =	sst s2  }
0x8f: {  	_ = 	snop  }
0x90: {  	s2 =	sld [smem:$0x3FC9]  }
0x91: {  	s19 =	sld [smem:$0x3FC8]  }
0x92: {  	s4 =	sld [smem:$0x3FD0];
	(tm) =	ssettm $0x1  }
0x93: {  	s5 =	sld [smem:$0x3FFB];
	_ =	sdelay $0x3  }
0x94: {  	_ =	strace s5  }
0x95: {  	s5 =	sld [smem:$0x3FFC];
	_ =	sdelay $0x3  }
0x96: {  	_ =	strace s5  }
0x97: {  	s5 =	sld [smem:$0x3FFD];
	_ =	sdelay $0x3  }
0x98: {  	_ =	strace s5  }
0x99: {  	_ =	strace $0x8FFFFFFF  }
0x9a: {  	s20 =	sld [smem:$0x3FDB];
	_ =	sdelay $0x1  }
0x9b: {  	s6 =	simm.s32 $_scs_section_size  }
0x9c: {  	s7 =	simm.s32 $_size__tile_overlayer_lowered;
	s8 =	simm.s32 $_tile_overlayer_lowered  }
0x9d: {  	s23 =	simm.s32 $0x1BFF;
	s22 =	sshll.u32 s8, $0x1;
	s5 =	sadd.s32 s6, s20  }
0x9e: {  	s9 =	simm.s32 $0x0;
	s21 =	sshll.u32 s7, $0x1;
	s7 =	sadd.s32 s22, s5  }
0x9f: {  	[timem:s9], [sflag:s23] =	dma.local [hbm:s7], s21  }
0xa0: {  	_ =	swait.ge [sflag:s23], s21  }
0xa1: {  	s6 =	ssub.s32 $0x0, s21;
	[sflag:s23] =	ssyncset.done $0x0  }
0xa2: {  	[sflag:s23] =	ssyncadd.s32 s6;
	_ =	sdelay $0x1  }
0xa3: {  	s24 =	simm.s32 $0x1B8B  }
0xa4: {  	_ =	swait.ge [sflag:s24], $0x1  }
0xa5: {  	[sflag:s24] =	ssyncset.done $0x0  }
0xa6: {  	s25 =	simm.s32 $0x1B8E;
	[sflag:s24] =	ssyncadd.s32 $0xFFFFFFFF  }
0xa7: {  	s26 =	simm.s32 $execute0_lowered;
	[smem:$0x3FD2] =	sst s25  }
0xa8: {  	s6 =	sshll.u32 s26, $0x1;
	_ =	strace $0x80000046;
	[dreg:$0x1] =	wrdreg $0xFFFFFFFF  }
0xa9: {  	s28 =	simm.s32 $_size_execute0_lowered;
	s5 =	sadd.s32 s5, s6;
	[dreg:$0x0] =	wrdreg $0x0  }
0xaa: {  	s6 =	sshll.u32 s28, $0x1;
	[dreg:$0x2] =	wrdreg s5  }
0xab: {  	[dreg:$0x3] =	wrdreg s6  }
0xac: {  	[dreg:$0x4] =	wrdreg $0xC0  }
0xad: {  	_ =	task [dreg:s9], $0x5FFFF  }
0xae: {  	[dreg:$0x1] =	wrdreg $0xFFFFFFFF  }
0xaf: {  	[dreg:$0x0] =	wrdreg $0x60  }
0xb0: {  	[dreg:$0x2] =	wrdreg s2  }
0xb1: {  	[dreg:$0x3] =	wrdreg s19  }
0xb2: {  	[dreg:$0x4] =	wrdreg s4  }
0xb3: {  	[dreg:$0x5] =	wrdreg $0x9  }
0xb4: {  	_ =	task.clear_ibuf [dreg:s9], $0x6FFFF;
	_ =	strace $0x90000046  }
0xb5: {  	s29 =	simm.s32 $0x9;
	_ =	strace $0x80000048  }
0xb6: {  	_ =	swait.ge [sflag:s29], $0x1  }
0xb7: {  	[sflag:s29] =	ssyncadd.s32 $0xFFFFFFFF  }
0xb8: {  	_ =	strace $0x90000048  }
0xb9: {  	_ =	sfence  }
0xba: {  	s30 =	sld [smem:$0x0];
	_ =	sdelay $0x2  }
0xbb: {  	s31 =	sshll.u32 s1, $0xD;
	s1 =	sshrl.u32 s1, $0x2  }
0xbc: {  	s3 =	sand.u32 $0x4000, s31;
	s1 =	sadd.s32 s1, s30  }
0xbd: {  	s0 =	sor.u32 s3, s0;
	s1 =	sshll.u32 s1, $0x11  }
0xbe: {  	s0 =	sor.u32 s1, s0  }
0xbf: {  	s0 =	sadd.s32 $0x8F2B, s0  }
0xc0: {  	[sflag:s0] =	ssyncadd.remote.s32 $0x1  }
0xc1: {  	_ =	sfence.sel $0xFFFF  }
0xc2: {  	[dreg:$0x0] =	wrdreg $0xFFFFFFFF;
	(pc) =	sbr.abs _section_cstart, $3  }
0xc3: {  	[dreg:$0x1] =	wrdreg $0xFFFFFFFF  }
0xc4: {  	_ =	task.clear_ibuf [dreg:s9], $0x2FFFF;
	_ =	strace $0x9FFFFFFF  }
0xc5: {  	(tm) =	ssettm $0x7FFFFFFF  }
tec
execute0_lowered:
.L_overlay_start_1:
0x0: {  	(tag) =	ssettag $0x1  }
0x1: {  	s0 =	rddreg [dreg:$0x0]  }
0x2: {  	s2 =	rddreg [dreg:$0x1];
	s1 =	srdreg.scid  }
0x3: {  	s19 =	stileid.u32;
	s5 =	rddreg [dreg:$0x2];
	s3 =	simm.s32 $0x0  }
0x4: {  	s28 =	simm.s32 $0x16400;
	s29 =	simm.s32 $0x16C00;
	s30 =	simm.s32 $0x17400  }
0x5: {  	s31 =	simm.s32 $0x17C00;
	s1 =	sand.u32 $0x1, s1;
	s13 =	smul.u32 $0x64000, s19  }
0x6: {  	s4 =	sshll.u32 s19, $0x1;
	[smem:$0x7FF] =	sst s3;
	s19 =	smul.u32 $0x320000, s19  }
0x7: {  	s6 =	sor.u32 s1, s4;
	s7 =	ssub.s32 $0x2, s1;
	s16 =	smul.u32 $0x32000, s1  }
0x8: {  	_ =	strace $0x80000047;
	s4 =	sshll.u32 s1, $0xB;
	s1 =	smul.u32 $0x190000, s1  }
0x9: {  	s8 =	smul.u32 $0x1900, s6;
	s9 =	sshrl.u32 s7, $0x1;
	s25 =	sor.u32 $0x80, s4  }
0xa: {  	s26 =	sor.u32 $0x100, s4;
	s10 =	sor.u32 $0x200, s4;
	s11 =	sor.u32 $0x280, s4  }
0xb: {  	s12 =	sor.u32 $0x300, s4;
	s14 =	sor.u32 $0x380, s4;
	s15 =	sor.u32 $0x400, s4  }
0xc: {  	v29 =	vlaneseq.u32;
	vm0 =	vmmov $0xffff;
	s17 =	sor.u32 $0x480, s4;
	s18 =	sor.u32 $0x500, s4;
	s20 =	sor.u32 $0x580, s4  }
0xd: {  	vm1 =	vcmask $0x300;
	v38 =	vimm.s32 $0x0;
	v0 =	vmul.u32 $0x8, v29;
	s21 =	sor.u32 $0x600, s4;
	s22 =	sor.u32 $0x680, s4;
	s6 =	smul.u32 $0x32000, s6  }
0xe: {  	v28 =	vshrl.u32 v29, $0x3;
	v27 =	vand.u32 $0x7, v29;
	v29 =	vor.u32 $0x8, v29;
	s13 =	sadd.s32 s13, s5;
	s23 =	sor.u32 $0x780, s4;
	s7 =	ssub.s32 s7, s9  }
0xf: {  	v38 =	vsel vm1, $0x7, v38;
	v28 =	vmul.u32 $0x8, v28;
	v1 =	vor.u32 s4, v0;
	s9 =	sor.u32 $0x180, s4;
	s13 =	sadd.s32 s16, s13;
	s16 =	sor.u32 $0x700, s4  }
0x10: {  	v19 =	vor.u32 $0x2, v0;
	s1 =	sadd.s32 s1, s19;
	v5 =	vor.u32 s10, v0;
	v6 =	vor.u32 s11, v0;
	s11 =	simm.s32 $0xE400;
	s10 =	simm.s32 $0x1BC00  }
0x11: {  	v7 =	vor.u32 s12, v0;
	v8 =	vor.u32 s14, v0;
	v10 =	vor.u32 s15, v0;
	s12 =	simm.s32 $0x1C400;
	s14 =	simm.s32 $0x1D400;
	s15 =	simm.s32 $0x1DC00  }
0x12: {  	v20 =	vor.u32 $0x82, v0;
	v11 =	vor.u32 s17, v0;
	v12 =	vor.u32 s18, v0;
	s17 =	simm.s32 $0x2;
	s18 =	simm.s32 $0x3;
	s19 =	simm.s32 $0x4  }
0x13: {  	v21 =	vor.u32 $0x102, v0;
	v22 =	vor.u32 $0x182, v0;
	v14 =	vor.u32 s21, v0;
	s21 =	simm.s32 $0x0;
	s0 =	sadd.s32 s0, s8;
	s7 =	smax.u32 s7, $0x1  }
0x14: {  	v23 =	vor.u32 $0x202, v0;
	v2 =	vor.u32 s25, v0;
	v3 =	vor.u32 s26, v0;
	s6 =	sadd.s32 s6, s5;
	s25 =	sadd.s32 $0x1000, s13;
	s26 =	sshrl.u32 s1, $0x3  }
0x15: {  	v24 =	vor.u32 $0x282, v0;
	v25 =	vor.u32 $0x302, v0;
	v4 =	vor.u32 s9, v0;
	s1 =	simm.s32 $0x18400;
	s8 =	simm.s32 $0x1AC00;
	s9 =	simm.s32 $0x1B400  }
.Ltmp0:
0x16: {  	v26 =	vor.u32 $0x382, v0;
	v30 =	vor.u32 $0x402, v0;
	v31 =	vor.u32 $0x482, v0;
	s13 =	simm.s32 $0x1CC00;
	[dreg:$0x4] =	wrdreg s0;
	(pc) =	sbr.rel .LBB2_1-.Ltmp0, $4  }
0x17: {  	v32 =	vor.u32 $0x502, v0;
	v33 =	vor.u32 $0x582, v0;
	v16 =	vor.u32 s16, v0;
	s16 =	simm.s32 $0x1;
	[dreg:$0x5] =	wrdreg s7;
	s24 =	sadd.s32 $0x31000, s6  }
0x18: {  	v34 =	vor.u32 $0x602, v0;
	v35 =	vor.u32 $0x682, v0;
	v36 =	vor.u32 $0x702, v0;
	[dreg:$0x7] =	wrdreg s25;
	s0 =	sadd.s32 s26, s5;
	s26 =	simm.s32 $0x15C00  }
0x19: {  	v37 =	vor.u32 $0x782, v0;
	v9 =	vshll.u32 v1, $0x1;
	v13 =	vor.u32 s20, v0;
	s5 =	simm.s32 $0x19400;
	s6 =	simm.s32 $0x19C00;
	[dreg:$0x6] =	wrdreg s24  }
0x1a: {  	v15 =	vor.u32 s22, v0;
	v17 =	vor.u32 s23, v0;
	v18 =	vshll.u32 v10, $0x1;
	s7 =	simm.s32 $0x1A400;
	[dreg:$0x8] =	wrdreg s0;
	s0 =	simm.s32 $0x18C00  }
.LBB2_6:
0x1b: {  	_ =	swait.ge [sflag:s17], $0x8000  }
0x1c: {  	[sflag:s17] =	ssyncset.done $0x0  }
0x1d: {  	s20 =	rddreg [dreg:$0x6];
	[sflag:s17] =	ssyncadd.s32 $0xFFFF8000  }
0x1e: {  	[hbm4b:s20+s3] =	stream.linear.scatter [tilespmem:s28], [sflag:$0x4], $0x8000, $0x38;
	[tilespmem:$0x1E400] =	vst v63  }
0x1f: {  	_ =	swait.ge [sflag:s18], $0x8000  }
0x20: {  	[sflag:s18] =	ssyncset.done $0x0  }
0x21: {  	[sflag:s18] =	ssyncadd.s32 $0xFFFF8000  }
0x22: {  	_ =	swait.ge [sflag:s19], $0x8000  }
0x23: {  	s21 =	rddreg [dreg:$0x9]  }
0x24: {  	s25 =	rddreg [dreg:$0x5];
	s21 =	sadd.s32 $0x1, s21  }
0x25: {  	p0 =	sne.s32 s21, s25  }
.Ltmp1:
0x26: {  	_ = 	snop;
	(pc) =	sbr.rel @!p0 .LBB2_7-.Ltmp1, $3  }
0x27: {  	_ =	sdelay $0x1  }
0x28: {  	[sflag:s19] =	ssyncset.done $0x0  }
0x29: {  	[sflag:s19] =	ssyncadd.s32 $0xFFFF8000  }
.LBB2_1:
0x2a: {  	[dreg:$0x9] =	wrdreg s21  }
0x2b: {  	s20 =	rddreg [dreg:$0x4];
	s21 =	simm.s32 $0x5  }
0x2c: {  	[tilespmem:s3], [sflag:$0x5] =	stream.linear.gather [hbm4b:s20+s3], $0xC800, $0x38;
	[tilespmem:$0x1E400] =	vst v63  }
0x2d: {  	_ =	swait.ge [sflag:s21], $0xC800  }
0x2e: {  	[sflag:s21] =	ssyncset.done $0x0  }
0x2f: {  	[sflag:s21] =	ssyncadd.s32 $0xFFFF3800  }
0x30: {  	v39 =	vld.idx.msk [tilespmem:v19+s3+$0x0], $0xffff;
	_ =	sdelay $0x4  }
0x31: {  	v39 =	vtrunc.f32 v39  }
0x32: {  	v39 =	vcvt.f32.s32 v39;
	_ =	sdelay $0x1  }
0x33: {  	vm1 =	vgt.s32 v39, $0x0  }
0x34: {  	v39 =	vnsel vm1, $0x0, v39  }
0x35: {  	v39 =	vmin.u32 v39, $0x7  }
0x36: {  	v40 =	vor.u32 v1, v39  }
0x37: {  	[tilespmem:$0xC800] =	vst v40  }
0x38: {  	v40 =	vld.idx.msk [tilespmem:v20+s3+$0x0], $0xffff;
	_ =	sdelay $0x4  }
0x39: {  	v40 =	vtrunc.f32 v40  }
0x3a: {  	v40 =	vcvt.f32.s32 v40;
	_ =	sdelay $0x1  }
0x3b: {  	vm1 =	vgt.s32 v40, $0x0  }
0x3c: {  	v40 =	vnsel vm1, $0x0, v40  }
0x3d: {  	v40 =	vmin.u32 v40, $0x7  }
0x3e: {  	v40 =	vor.u32 v40, v2  }
0x3f: {  	[tilespmem:$0xC810] =	vst v40  }
0x40: {  	v40 =	vld.idx.msk [tilespmem:v21+s3+$0x0], $0xffff;
	_ =	sdelay $0x4  }
0x41: {  	v40 =	vtrunc.f32 v40  }
0x42: {  	v40 =	vcvt.f32.s32 v40;
	_ =	sdelay $0x1  }
0x43: {  	vm1 =	vgt.s32 v40, $0x0  }
0x44: {  	v40 =	vnsel vm1, $0x0, v40  }
0x45: {  	v40 =	vmin.u32 v40, $0x7  }
0x46: {  	v40 =	vor.u32 v40, v3  }
0x47: {  	[tilespmem:$0xC820] =	vst v40  }
0x48: {  	v40 =	vld.idx.msk [tilespmem:v22+s3+$0x0], $0xffff;
	_ =	sdelay $0x4  }
0x49: {  	v40 =	vtrunc.f32 v40  }
0x4a: {  	v40 =	vcvt.f32.s32 v40;
	_ =	sdelay $0x1  }
0x4b: {  	vm1 =	vgt.s32 v40, $0x0  }
0x4c: {  	v40 =	vnsel vm1, $0x0, v40  }
0x4d: {  	v40 =	vmin.u32 v40, $0x7  }
0x4e: {  	v40 =	vor.u32 v40, v4  }
0x4f: {  	[tilespmem:$0xC830] =	vst v40  }
0x50: {  	v40 =	vld.idx.msk [tilespmem:v23+s3+$0x0], $0xffff;
	_ =	sdelay $0x4  }
0x51: {  	v40 =	vtrunc.f32 v40  }
0x52: {  	v40 =	vcvt.f32.s32 v40;
	_ =	sdelay $0x1  }
0x53: {  	vm1 =	vgt.s32 v40, $0x0  }
0x54: {  	v40 =	vnsel vm1, $0x0, v40  }
0x55: {  	v40 =	vmin.u32 v40, $0x7  }
0x56: {  	v40 =	vor.u32 v40, v5  }
0x57: {  	[tilespmem:$0xC840] =	vst v40  }
0x58: {  	v40 =	vld.idx.msk [tilespmem:v24+s3+$0x0], $0xffff;
	_ =	sdelay $0x4  }
0x59: {  	v40 =	vtrunc.f32 v40  }
0x5a: {  	v40 =	vcvt.f32.s32 v40;
	_ =	sdelay $0x1  }
0x5b: {  	vm1 =	vgt.s32 v40, $0x0  }
0x5c: {  	v40 =	vnsel vm1, $0x0, v40  }
0x5d: {  	v40 =	vmin.u32 v40, $0x7  }
0x5e: {  	v40 =	vor.u32 v40, v6  }
0x5f: {  	[tilespmem:$0xC850] =	vst v40  }
0x60: {  	v40 =	vld.idx.msk [tilespmem:v25+s3+$0x0], $0xffff;
	_ =	sdelay $0x4  }
0x61: {  	v40 =	vtrunc.f32 v40  }
0x62: {  	v40 =	vcvt.f32.s32 v40;
	_ =	sdelay $0x1  }
0x63: {  	vm1 =	vgt.s32 v40, $0x0  }
0x64: {  	v40 =	vnsel vm1, $0x0, v40  }
0x65: {  	v40 =	vmin.u32 v40, $0x7  }
0x66: {  	v40 =	vor.u32 v40, v7  }
0x67: {  	[tilespmem:$0xC860] =	vst v40  }
0x68: {  	v40 =	vld.idx.msk [tilespmem:v26+s3+$0x0], $0xffff;
	_ =	sdelay $0x4  }
0x69: {  	v39 =	vor.u32 v9, v39;
	v40 =	vtrunc.f32 v40  }
0x6a: {  	v41 =	vperm.xlane v39, v27;
	v40 =	vcvt.f32.s32 v40;
	_ =	sdelay $0x1  }
0x6b: {  	v39 =	vperm.xlane v39, v29;
	v41 =	vadd.s32 v28, v41;
	vm1 =	vgt.s32 v40, $0x0  }
0x6c: {  	v40 =	vnsel vm1, $0x0, v40  }
0x6d: {  	v39 =	vadd.s32 v28, v39;
	v40 =	vmin.u32 v40, $0x7  }
0x6e: {  	v40 =	vor.u32 v40, v8  }
0x6f: {  	[tilespmem:$0xC870] =	vst v40  }
0x70: {  	[tilespmem:s11], [sflag:$0x1] =	stream.indirect_vreg.gather [hbm4b:s2+s3], $0x80, v41, vm0, $0xb8;
	[tilespmem:$0x1E400] =	vst v63  }
0x71: {  	s22 =	simm.s32 $0xEC00  }
0x72: {  	[tilespmem:s22], [sflag:$0x1] =	stream.indirect_vreg.gather [hbm4b:s2+s3], $0x80, v39, vm0, $0xb8;
	[tilespmem:$0x1E400] =	vst v63  }
0x73: {  	v39 =	vld [tilespmem:$0xC810];
	_ =	sdelay $0x4  }
0x74: {  	v48 =	vshll.u32 v39, $0x1  }
0x75: {  	v39 =	vand.u32 $0x7, v39;
	v40 =	vand.u32 $0xFFFFFFF0, v48  }
0x76: {  	v39 =	vor.u32 v39, v40  }
0x77: {  	v40 =	vperm.xlane v39, v27;
	_ =	sdelay $0x1  }
0x78: {  	v39 =	vperm.xlane v39, v29;
	v40 =	vadd.s32 v28, v40;
	_ =	sdelay $0x1  }
0x79: {  	v39 =	vadd.s32 v28, v39;
	_ =	sdelay $0x1  }
0x7a: {  	s23 =	simm.s32 $0xF400  }
0x7b: {  	[tilespmem:s23], [sflag:$0x1] =	stream.indirect_vreg.gather [hbm4b:s2+s3], $0x80, v40, vm0, $0xb8;
	[tilespmem:$0x1E400] =	vst v63  }
0x7c: {  	s24 =	simm.s32 $0xFC00  }
0x7d: {  	[tilespmem:s24], [sflag:$0x1] =	stream.indirect_vreg.gather [hbm4b:s2+s3], $0x80, v39, vm0, $0xb8;
	[tilespmem:$0x1E400] =	vst v63  }
0x7e: {  	v39 =	vld [tilespmem:$0xC820];
	_ =	sdelay $0x4  }
0x7f: {  	v49 =	vshll.u32 v39, $0x1  }
0x80: {  	v39 =	vand.u32 $0x7, v39;
	v40 =	vand.u32 $0xFFFFFFF0, v49  }
0x81: {  	v39 =	vor.u32 v39, v40  }
0x82: {  	v40 =	vperm.xlane v39, v27;
	_ =	sdelay $0x1  }
0x83: {  	v39 =	vperm.xlane v39, v29;
	v40 =	vadd.s32 v28, v40;
	_ =	sdelay $0x1  }
0x84: {  	v39 =	vadd.s32 v28, v39;
	_ =	sdelay $0x1  }
0x85: {  	s25 =	simm.s32 $0x10400  }
0x86: {  	[tilespmem:s25], [sflag:$0x1] =	stream.indirect_vreg.gather [hbm4b:s2+s3], $0x80, v40, vm0, $0xb8;
	[tilespmem:$0x1E400] =	vst v63  }
0x87: {  	s21 =	simm.s32 $0x10C00  }
0x88: {  	[tilespmem:s21], [sflag:$0x1] =	stream.indirect_vreg.gather [hbm4b:s2+s3], $0x80, v39, vm0, $0xb8;
	[tilespmem:$0x1E400] =	vst v63  }
0x89: {  	v39 =	vld [tilespmem:$0xC830];
	_ =	sdelay $0x4  }
0x8a: {  	v50 =	vshll.u32 v39, $0x1  }
0x8b: {  	v39 =	vand.u32 $0x7, v39;
	v40 =	vand.u32 $0xFFFFFFF0, v50  }
0x8c: {  	v39 =	vor.u32 v39, v40  }
0x8d: {  	v40 =	vperm.xlane v39, v27;
	_ =	sdelay $0x1  }
0x8e: {  	v39 =	vperm.xlane v39, v29;
	v40 =	vadd.s32 v28, v40;
	_ =	sdelay $0x1  }
0x8f: {  	v39 =	vadd.s32 v28, v39;
	_ =	sdelay $0x1  }
0x90: {  	s22 =	simm.s32 $0x11400  }
0x91: {  	[tilespmem:s22], [sflag:$0x1] =	stream.indirect_vreg.gather [hbm4b:s2+s3], $0x80, v40, vm0, $0xb8;
	[tilespmem:$0x1E400] =	vst v63  }
0x92: {  	s23 =	simm.s32 $0x11C00  }
0x93: {  	[tilespmem:s23], [sflag:$0x1] =	stream.indirect_vreg.gather [hbm4b:s2+s3], $0x80, v39, vm0, $0xb8;
	[tilespmem:$0x1E400] =	vst v63  }
0x94: {  	v39 =	vld [tilespmem:$0xC840];
	_ =	sdelay $0x4  }
0x95: {  	v51 =	vshll.u32 v39, $0x1  }
0x96: {  	v39 =	vand.u32 $0x7, v39;
	v40 =	vand.u32 $0xFFFFFFF0, v51  }
0x97: {  	v39 =	vor.u32 v39, v40  }
0x98: {  	v40 =	vperm.xlane v39, v27;
	_ =	sdelay $0x1  }
0x99: {  	v39 =	vperm.xlane v39, v29;
	v40 =	vadd.s32 v28, v40;
	_ =	sdelay $0x1  }
0x9a: {  	v39 =	vadd.s32 v28, v39;
	_ =	sdelay $0x1  }
0x9b: {  	s24 =	simm.s32 $0x12400  }
0x9c: {  	[tilespmem:s24], [sflag:$0x1] =	stream.indirect_vreg.gather [hbm4b:s2+s3], $0x80, v40, vm0, $0xb8;
	[tilespmem:$0x1E400] =	vst v63  }
0x9d: {  	s25 =	simm.s32 $0x12C00  }
0x9e: {  	[tilespmem:s25], [sflag:$0x1] =	stream.indirect_vreg.gather [hbm4b:s2+s3], $0x80, v39, vm0, $0xb8;
	[tilespmem:$0x1E400] =	vst v63  }
0x9f: {  	v39 =	vld [tilespmem:$0xC850];
	_ =	sdelay $0x4  }
0xa0: {  	v52 =	vshll.u32 v39, $0x1  }
0xa1: {  	v39 =	vand.u32 $0x7, v39;
	v40 =	vand.u32 $0xFFFFFFF0, v52  }
0xa2: {  	v39 =	vor.u32 v39, v40  }
0xa3: {  	v40 =	vperm.xlane v39, v27;
	_ =	sdelay $0x1  }
0xa4: {  	v39 =	vperm.xlane v39, v29;
	v40 =	vadd.s32 v28, v40;
	_ =	sdelay $0x1  }
0xa5: {  	v39 =	vadd.s32 v28, v39;
	_ =	sdelay $0x1  }
0xa6: {  	s21 =	simm.s32 $0x13400  }
0xa7: {  	[tilespmem:s21], [sflag:$0x1] =	stream.indirect_vreg.gather [hbm4b:s2+s3], $0x80, v40, vm0, $0xb8;
	[tilespmem:$0x1E400] =	vst v63  }
0xa8: {  	s22 =	simm.s32 $0x13C00  }
0xa9: {  	[tilespmem:s22], [sflag:$0x1] =	stream.indirect_vreg.gather [hbm4b:s2+s3], $0x80, v39, vm0, $0xb8;
	[tilespmem:$0x1E400] =	vst v63  }
0xaa: {  	v39 =	vld [tilespmem:$0xC860];
	_ =	sdelay $0x4  }
0xab: {  	v53 =	vshll.u32 v39, $0x1  }
0xac: {  	v39 =	vand.u32 $0x7, v39;
	v40 =	vand.u32 $0xFFFFFFF0, v53  }
0xad: {  	v39 =	vor.u32 v39, v40  }
0xae: {  	v40 =	vperm.xlane v39, v27;
	_ =	sdelay $0x1  }
0xaf: {  	v39 =	vperm.xlane v39, v29;
	v40 =	vadd.s32 v28, v40;
	_ =	sdelay $0x1  }
0xb0: {  	v39 =	vadd.s32 v28, v39;
	_ =	sdelay $0x1  }
0xb1: {  	s23 =	simm.s32 $0x14400  }
0xb2: {  	[tilespmem:s23], [sflag:$0x1] =	stream.indirect_vreg.gather [hbm4b:s2+s3], $0x80, v40, vm0, $0xb8;
	[tilespmem:$0x1E400] =	vst v63  }
0xb3: {  	s24 =	simm.s32 $0x14C00  }
0xb4: {  	[tilespmem:s24], [sflag:$0x1] =	stream.indirect_vreg.gather [hbm4b:s2+s3], $0x80, v39, vm0, $0xb8;
	[tilespmem:$0x1E400] =	vst v63  }
0xb5: {  	v39 =	vld [tilespmem:$0xC870];
	_ =	sdelay $0x4  }
0xb6: {  	v54 =	vshll.u32 v39, $0x1  }
0xb7: {  	v39 =	vand.u32 $0x7, v39;
	v40 =	vand.u32 $0xFFFFFFF0, v54  }
0xb8: {  	v39 =	vor.u32 v39, v40  }
0xb9: {  	v40 =	vperm.xlane v39, v27;
	_ =	sdelay $0x1  }
0xba: {  	v39 =	vperm.xlane v39, v29;
	v40 =	vadd.s32 v28, v40;
	_ =	sdelay $0x1  }
0xbb: {  	v39 =	vadd.s32 v28, v39;
	_ =	sdelay $0x1  }
0xbc: {  	s25 =	simm.s32 $0x15400  }
0xbd: {  	[tilespmem:s25], [sflag:$0x1] =	stream.indirect_vreg.gather [hbm4b:s2+s3], $0x80, v40, vm0, $0xb8;
	[tilespmem:$0x1E400] =	vst v63  }
0xbe: {  	_ = 	snop  }
0xbf: {  	[tilespmem:s26], [sflag:$0x1] =	stream.indirect_vreg.gather [hbm4b:s2+s3], $0x80, v39, vm0, $0xb8;
	[tilespmem:$0x1E400] =	vst v63  }
0xc0: {  	v39 =	vld.idx.msk [tilespmem:v30+s3+$0x0], $0xffff;
	_ =	sdelay $0x4  }
0xc1: {  	v39 =	vtrunc.f32 v39  }
0xc2: {  	v39 =	vcvt.f32.s32 v39;
	_ =	sdelay $0x1  }
0xc3: {  	vm1 =	vgt.s32 v39, $0x0  }
0xc4: {  	v39 =	vnsel vm1, $0x0, v39  }
0xc5: {  	v39 =	vmin.u32 v39, $0x7  }
0xc6: {  	v55 =	vor.u32 v10, v39  }
0xc7: {  	[tilespmem:$0xC880] =	vst v55  }
0xc8: {  	v40 =	vld.idx.msk [tilespmem:v31+s3+$0x0], $0xffff;
	_ =	sdelay $0x4  }
0xc9: {  	v40 =	vtrunc.f32 v40  }
0xca: {  	v40 =	vcvt.f32.s32 v40;
	_ =	sdelay $0x1  }
0xcb: {  	vm1 =	vgt.s32 v40, $0x0  }
0xcc: {  	v40 =	vnsel vm1, $0x0, v40  }
0xcd: {  	v40 =	vmin.u32 v40, $0x7  }
0xce: {  	v40 =	vor.u32 v40, v11  }
0xcf: {  	[tilespmem:$0xC890] =	vst v40  }
0xd0: {  	v40 =	vld.idx.msk [tilespmem:v32+s3+$0x0], $0xffff;
	_ =	sdelay $0x4  }
0xd1: {  	v40 =	vtrunc.f32 v40  }
0xd2: {  	v40 =	vcvt.f32.s32 v40;
	_ =	sdelay $0x1  }
0xd3: {  	vm1 =	vgt.s32 v40, $0x0  }
0xd4: {  	v40 =	vnsel vm1, $0x0, v40  }
0xd5: {  	v40 =	vmin.u32 v40, $0x7  }
0xd6: {  	v40 =	vor.u32 v40, v12  }
0xd7: {  	[tilespmem:$0xC8A0] =	vst v40  }
0xd8: {  	v40 =	vld.idx.msk [tilespmem:v33+s3+$0x0], $0xffff;
	_ =	sdelay $0x4  }
0xd9: {  	v40 =	vtrunc.f32 v40  }
0xda: {  	v40 =	vcvt.f32.s32 v40;
	_ =	sdelay $0x1  }
0xdb: {  	vm1 =	vgt.s32 v40, $0x0  }
0xdc: {  	v40 =	vnsel vm1, $0x0, v40  }
0xdd: {  	v40 =	vmin.u32 v40, $0x7  }
0xde: {  	v40 =	vor.u32 v40, v13  }
0xdf: {  	[tilespmem:$0xC8B0] =	vst v40  }
0xe0: {  	v40 =	vld.idx.msk [tilespmem:v34+s3+$0x0], $0xffff;
	_ =	sdelay $0x4  }
0xe1: {  	v40 =	vtrunc.f32 v40  }
0xe2: {  	v40 =	vcvt.f32.s32 v40;
	_ =	sdelay $0x1  }
0xe3: {  	vm1 =	vgt.s32 v40, $0x0  }
0xe4: {  	v40 =	vnsel vm1, $0x0, v40  }
0xe5: {  	v40 =	vmin.u32 v40, $0x7  }
0xe6: {  	v40 =	vor.u32 v40, v14  }
0xe7: {  	[tilespmem:$0xC8C0] =	vst v40  }
0xe8: {  	v40 =	vld.idx.msk [tilespmem:v35+s3+$0x0], $0xffff;
	_ =	sdelay $0x4  }
0xe9: {  	v40 =	vtrunc.f32 v40  }
0xea: {  	v40 =	vcvt.f32.s32 v40;
	_ =	sdelay $0x1  }
0xeb: {  	vm1 =	vgt.s32 v40, $0x0  }
0xec: {  	v40 =	vnsel vm1, $0x0, v40  }
0xed: {  	v40 =	vmin.u32 v40, $0x7  }
0xee: {  	v40 =	vor.u32 v40, v15  }
0xef: {  	[tilespmem:$0xC8D0] =	vst v40  }
0xf0: {  	v40 =	vld.idx.msk [tilespmem:v36+s3+$0x0], $0xffff;
	_ =	sdelay $0x4  }
0xf1: {  	v40 =	vtrunc.f32 v40  }
0xf2: {  	v40 =	vcvt.f32.s32 v40;
	_ =	sdelay $0x1  }
0xf3: {  	vm1 =	vgt.s32 v40, $0x0  }
0xf4: {  	v40 =	vnsel vm1, $0x0, v40  }
0xf5: {  	v40 =	vmin.u32 v40, $0x7  }
0xf6: {  	v40 =	vor.u32 v40, v16  }
0xf7: {  	[tilespmem:$0xC8E0] =	vst v40  }
0xf8: {  	v40 =	vld.idx.msk [tilespmem:v37+s3+$0x0], $0xffff;
	_ =	sdelay $0x4  }
0xf9: {  	v39 =	vor.u32 v18, v39;
	v40 =	vtrunc.f32 v40  }
0xfa: {  	v56 =	vperm.xlane v39, v27;
	v40 =	vcvt.f32.s32 v40;
	_ =	sdelay $0x1  }
0xfb: {  	v39 =	vperm.xlane v39, v29;
	v41 =	vadd.s32 v28, v56;
	vm1 =	vgt.s32 v40, $0x0  }
0xfc: {  	v40 =	vnsel vm1, $0x0, v40  }
0xfd: {  	v39 =	vadd.s32 v28, v39;
	v40 =	vmin.u32 v40, $0x7  }
0xfe: {  	v40 =	vor.u32 v40, v17  }
0xff: {  	[tilespmem:$0xC8F0] =	vst v40  }
0x100: {  	[tilespmem:s28], [sflag:$0x2] =	stream.indirect_vreg.gather [hbm4b:s2+s3], $0x80, v41, vm0, $0xb8;
	[tilespmem:$0x1E400] =	vst v63  }
0x101: {  	_ = 	snop  }
0x102: {  	[tilespmem:s29], [sflag:$0x2] =	stream.indirect_vreg.gather [hbm4b:s2+s3], $0x80, v39, vm0, $0xb8;
	[tilespmem:$0x1E400] =	vst v63  }
0x103: {  	v39 =	vld [tilespmem:$0xC890];
	_ =	sdelay $0x4  }
0x104: {  	v57 =	vshll.u32 v39, $0x1  }
0x105: {  	v39 =	vand.u32 $0x7, v39;
	v40 =	vand.u32 $0xFFFFFFF0, v57  }
0x106: {  	v39 =	vor.u32 v39, v40  }
0x107: {  	v40 =	vperm.xlane v39, v27;
	_ =	sdelay $0x1  }
0x108: {  	v39 =	vperm.xlane v39, v29;
	v40 =	vadd.s32 v28, v40;
	_ =	sdelay $0x1  }
0x109: {  	v39 =	vadd.s32 v28, v39;
	_ =	sdelay $0x2  }
0x10a: {  	[tilespmem:s30], [sflag:$0x2] =	stream.indirect_vreg.gather [hbm4b:s2+s3], $0x80, v40, vm0, $0xb8;
	[tilespmem:$0x1E400] =	vst v63  }
0x10b: {  	_ = 	snop  }
0x10c: {  	[tilespmem:s31], [sflag:$0x2] =	stream.indirect_vreg.gather [hbm4b:s2+s3], $0x80, v39, vm0, $0xb8;
	[tilespmem:$0x1E400] =	vst v63  }
0x10d: {  	v39 =	vld [tilespmem:$0xC8A0];
	_ =	sdelay $0x4  }
0x10e: {  	v58 =	vshll.u32 v39, $0x1  }
0x10f: {  	v39 =	vand.u32 $0x7, v39;
	v40 =	vand.u32 $0xFFFFFFF0, v58  }
0x110: {  	v39 =	vor.u32 v39, v40  }
0x111: {  	v40 =	vperm.xlane v39, v27;
	_ =	sdelay $0x1  }
0x112: {  	v39 =	vperm.xlane v39, v29;
	v40 =	vadd.s32 v28, v40;
	_ =	sdelay $0x1  }
0x113: {  	v39 =	vadd.s32 v28, v39;
	_ =	sdelay $0x2  }
0x114: {  	[tilespmem:s1], [sflag:$0x2] =	stream.indirect_vreg.gather [hbm4b:s2+s3], $0x80, v40, vm0, $0xb8;
	[tilespmem:$0x1E400] =	vst v63  }
0x115: {  	_ = 	snop  }
0x116: {  	[tilespmem:s0], [sflag:$0x2] =	stream.indirect_vreg.gather [hbm4b:s2+s3], $0x80, v39, vm0, $0xb8;
	[tilespmem:$0x1E400] =	vst v63  }
0x117: {  	v39 =	vld [tilespmem:$0xC8B0];
	_ =	sdelay $0x4  }
0x118: {  	v59 =	vshll.u32 v39, $0x1  }
0x119: {  	v39 =	vand.u32 $0x7, v39;
	v40 =	vand.u32 $0xFFFFFFF0, v59  }
0x11a: {  	v39 =	vor.u32 v39, v40  }
0x11b: {  	v40 =	vperm.xlane v39, v27;
	_ =	sdelay $0x1  }
0x11c: {  	v39 =	vperm.xlane v39, v29;
	v40 =	vadd.s32 v28, v40;
	_ =	sdelay $0x1  }
0x11d: {  	v39 =	vadd.s32 v28, v39;
	_ =	sdelay $0x2  }
0x11e: {  	[tilespmem:s5], [sflag:$0x2] =	stream.indirect_vreg.gather [hbm4b:s2+s3], $0x80, v40, vm0, $0xb8;
	[tilespmem:$0x1E400] =	vst v63  }
0x11f: {  	_ = 	snop  }
0x120: {  	[tilespmem:s6], [sflag:$0x2] =	stream.indirect_vreg.gather [hbm4b:s2+s3], $0x80, v39, vm0, $0xb8;
	[tilespmem:$0x1E400] =	vst v63  }
0x121: {  	v39 =	vld [tilespmem:$0xC8C0];
	_ =	sdelay $0x4  }
0x122: {  	v60 =	vshll.u32 v39, $0x1  }
0x123: {  	v39 =	vand.u32 $0x7, v39;
	v40 =	vand.u32 $0xFFFFFFF0, v60  }
0x124: {  	v39 =	vor.u32 v39, v40  }
0x125: {  	v40 =	vperm.xlane v39, v27;
	_ =	sdelay $0x1  }
0x126: {  	v39 =	vperm.xlane v39, v29;
	v40 =	vadd.s32 v28, v40;
	_ =	sdelay $0x1  }
0x127: {  	v39 =	vadd.s32 v28, v39;
	_ =	sdelay $0x2  }
0x128: {  	[tilespmem:s7], [sflag:$0x2] =	stream.indirect_vreg.gather [hbm4b:s2+s3], $0x80, v40, vm0, $0xb8;
	[tilespmem:$0x1E400] =	vst v63  }
0x129: {  	_ = 	snop  }
0x12a: {  	[tilespmem:s8], [sflag:$0x2] =	stream.indirect_vreg.gather [hbm4b:s2+s3], $0x80, v39, vm0, $0xb8;
	[tilespmem:$0x1E400] =	vst v63  }
0x12b: {  	v39 =	vld [tilespmem:$0xC8D0];
	_ =	sdelay $0x4  }
0x12c: {  	v61 =	vshll.u32 v39, $0x1  }
0x12d: {  	v39 =	vand.u32 $0x7, v39;
	v40 =	vand.u32 $0xFFFFFFF0, v61  }
0x12e: {  	v39 =	vor.u32 v39, v40  }
0x12f: {  	v40 =	vperm.xlane v39, v27;
	_ =	sdelay $0x1  }
0x130: {  	v39 =	vperm.xlane v39, v29;
	v40 =	vadd.s32 v28, v40;
	_ =	sdelay $0x1  }
0x131: {  	v39 =	vadd.s32 v28, v39;
	_ =	sdelay $0x2  }
0x132: {  	[tilespmem:s9], [sflag:$0x2] =	stream.indirect_vreg.gather [hbm4b:s2+s3], $0x80, v40, vm0, $0xb8;
	[tilespmem:$0x1E400] =	vst v63  }
0x133: {  	_ = 	snop  }
0x134: {  	[tilespmem:s10], [sflag:$0x2] =	stream.indirect_vreg.gather [hbm4b:s2+s3], $0x80, v39, vm0, $0xb8;
	[tilespmem:$0x1E400] =	vst v63  }
0x135: {  	v39 =	vld [tilespmem:$0xC8E0];
	_ =	sdelay $0x4  }
0x136: {  	v62 =	vshll.u32 v39, $0x1  }
0x137: {  	v39 =	vand.u32 $0x7, v39;
	v40 =	vand.u32 $0xFFFFFFF0, v62  }
0x138: {  	v39 =	vor.u32 v39, v40  }
0x139: {  	v40 =	vperm.xlane v39, v27;
	_ =	sdelay $0x1  }
0x13a: {  	v39 =	vperm.xlane v39, v29;
	v40 =	vadd.s32 v28, v40;
	_ =	sdelay $0x1  }
0x13b: {  	v39 =	vadd.s32 v28, v39;
	_ =	sdelay $0x2  }
0x13c: {  	[tilespmem:s12], [sflag:$0x2] =	stream.indirect_vreg.gather [hbm4b:s2+s3], $0x80, v40, vm0, $0xb8;
	[tilespmem:$0x1E400] =	vst v63  }
0x13d: {  	_ = 	snop  }
0x13e: {  	[tilespmem:s13], [sflag:$0x2] =	stream.indirect_vreg.gather [hbm4b:s2+s3], $0x80, v39, vm0, $0xb8;
	[tilespmem:$0x1E400] =	vst v63  }
0x13f: {  	v39 =	vld [tilespmem:$0xC8F0];
	_ =	sdelay $0x4  }
0x140: {  	v63 =	vshll.u32 v39, $0x1  }
0x141: {  	v39 =	vand.u32 $0x7, v39;
	v40 =	vand.u32 $0xFFFFFFF0, v63  }
0x142: {  	v39 =	vor.u32 v39, v40  }
0x143: {  	v40 =	vperm.xlane v39, v27;
	_ =	sdelay $0x1  }
0x144: {  	v39 =	vperm.xlane v39, v29;
	v40 =	vadd.s32 v28, v40;
	_ =	sdelay $0x1  }
0x145: {  	v39 =	vadd.s32 v28, v39;
	_ =	sdelay $0x1  }
0x146: {  	s22 =	rddreg [dreg:$0x8]  }
0x147: {  	[tilespmem:s14], [sflag:$0x2] =	stream.indirect_vreg.gather [hbm4b:s2+s3], $0x80, v40, vm0, $0xb8;
	[tilespmem:$0x1E400] =	vst v63  }
0x148: {  	s20 =	simm.s32 $0xF80;
	s21 =	simm.s32 $0xC9F0;
	s23 =	rddreg [dreg:$0x7]  }
0x149: {  	[tilespmem:s15], [sflag:$0x2] =	stream.indirect_vreg.gather [hbm4b:s2+s3], $0x80, v39, vm0, $0xb8;
	[tilespmem:$0x1E400] =	vst v63  }
.LBB2_2:
0x14a: {  	p0 =	seq.s32 s20, $0xCF80  }
.Ltmp2:
0x14b: {  	_ = 	snop;
	(pc) =	sbr.rel @p0 .LBB2_4-.Ltmp2, $1  }
0x14c: {  	_ =	sdelay $0x3  }
0x14d: {  	s24 =	sadd.s32 $0xFFFFF880, s20  }
0x14e: {  	v39 =	vmov s24  }
0x14f: {  	v39 =	vshrl.u32 v39, $0x7  }
0x150: {  	v39 =	vshll.u32 v39, v38  }
0x151: {  	v39 =	vbroadcast v39, $0x0;
	_ =	sdelay $0x1  }
0x152: {  	v39 =	vor.u32 v19, v39;
	_ =	sdelay $0x4  }
0x153: {  	v39 =	vld.idx.msk [tilespmem:v39+s3+$0x0], $0xffff;
	_ =	sdelay $0x2  }
0x154: {  	s25 =	sadd.s32 $0xFFFFF900, s20  }
0x155: {  	v40 =	vmov s25  }
0x156: {  	v40 =	vshrl.u32 v40, $0x7;
	v39 =	vtrunc.f32 v39  }
0x157: {  	v40 =	vshll.u32 v40, v38;
	v39 =	vcvt.f32.s32 v39  }
0x158: {  	v40 =	vbroadcast v40, $0x0  }
0x159: {  	vm1 =	vgt.s32 v39, $0x0  }
0x15a: {  	s24 =	sadd.s32 s4, s24;
	v40 =	vor.u32 v19, v40;
	v39 =	vnsel vm1, $0x0, v39  }
0x15b: {  	s24 =	sand.u32 $0x800, s24;
	v39 =	vmin.u32 v39, $0x7  }
0x15c: {  	v39 =	vor.u32 s24, v39  }
0x15d: {  	v39 =	vor.u32 v0, v39  }
0x15e: {  	[tilespmem:s21+$0xFFFFFF10] =	vst v39  }
0x15f: {  	v39 =	vld.idx.msk [tilespmem:v40+s3+$0x0], $0xffff;
	_ =	sdelay $0x2  }
0x160: {  	s25 =	sadd.s32 $0xFFFFF980, s20  }
0x161: {  	v58 =	vmov s25  }
0x162: {  	v40 =	vshrl.u32 v58, $0x7;
	v39 =	vtrunc.f32 v39  }
0x163: {  	v40 =	vshll.u32 v40, v38;
	v39 =	vcvt.f32.s32 v39  }
0x164: {  	v40 =	vbroadcast v40, $0x0  }
0x165: {  	vm1 =	vgt.s32 v39, $0x0  }
0x166: {  	v40 =	vor.u32 v19, v40;
	v39 =	vnsel vm1, $0x0, v39  }
0x167: {  	s25 =	sor.u32 $0x80, s24;
	v39 =	vmin.u32 v39, $0x7  }
0x168: {  	v39 =	vor.u32 s25, v39  }
0x169: {  	v39 =	vor.u32 v0, v39  }
0x16a: {  	[tilespmem:s21+$0xFFFFFF20] =	vst v39  }
0x16b: {  	v39 =	vld.idx.msk [tilespmem:v40+s3+$0x0], $0xffff;
	_ =	sdelay $0x2  }
0x16c: {  	s25 =	sadd.s32 $0xFFFFFA00, s20  }
0x16d: {  	v59 =	vmov s25  }
0x16e: {  	v40 =	vshrl.u32 v59, $0x7;
	v39 =	vtrunc.f32 v39  }
0x16f: {  	v40 =	vshll.u32 v40, v38;
	v39 =	vcvt.f32.s32 v39  }
0x170: {  	v40 =	vbroadcast v40, $0x0  }
0x171: {  	vm1 =	vgt.s32 v39, $0x0  }
0x172: {  	v40 =	vor.u32 v19, v40;
	v39 =	vnsel vm1, $0x0, v39  }
0x173: {  	s25 =	sor.u32 $0x100, s24;
	v39 =	vmin.u32 v39, $0x7  }
0x174: {  	v39 =	vor.u32 s25, v39  }
0x175: {  	v39 =	vor.u32 v0, v39  }
0x176: {  	[tilespmem:s21+$0xFFFFFF30] =	vst v39  }
0x177: {  	v39 =	vld.idx.msk [tilespmem:v40+s3+$0x0], $0xffff;
	_ =	sdelay $0x2  }
0x178: {  	s25 =	sadd.s32 $0xFFFFFA80, s20  }
0x179: {  	v60 =	vmov s25  }
0x17a: {  	v40 =	vshrl.u32 v60, $0x7;
	v39 =	vtrunc.f32 v39  }
0x17b: {  	v40 =	vshll.u32 v40, v38;
	v39 =	vcvt.f32.s32 v39  }
0x17c: {  	v40 =	vbroadcast v40, $0x0  }
0x17d: {  	vm1 =	vgt.s32 v39, $0x0  }
0x17e: {  	v40 =	vor.u32 v19, v40;
	v39 =	vnsel vm1, $0x0, v39  }
0x17f: {  	s25 =	sor.u32 $0x180, s24;
	v39 =	vmin.u32 v39, $0x7  }
0x180: {  	v39 =	vor.u32 s25, v39  }
0x181: {  	v39 =	vor.u32 v0, v39  }
0x182: {  	[tilespmem:s21+$0xFFFFFF40] =	vst v39  }
0x183: {  	v39 =	vld.idx.msk [tilespmem:v40+s3+$0x0], $0xffff;
	_ =	sdelay $0x2  }
0x184: {  	s25 =	sadd.s32 $0xFFFFFB00, s20  }
0x185: {  	v61 =	vmov s25  }
0x186: {  	v40 =	vshrl.u32 v61, $0x7;
	v39 =	vtrunc.f32 v39  }
0x187: {  	v40 =	vshll.u32 v40, v38;
	v39 =	vcvt.f32.s32 v39  }
0x188: {  	v40 =	vbroadcast v40, $0x0  }
0x189: {  	vm1 =	vgt.s32 v39, $0x0  }
0x18a: {  	v40 =	vor.u32 v19, v40;
	v39 =	vnsel vm1, $0x0, v39  }
0x18b: {  	s25 =	sor.u32 $0x200, s24;
	v39 =	vmin.u32 v39, $0x7  }
0x18c: {  	v39 =	vor.u32 s25, v39  }
0x18d: {  	v39 =	vor.u32 v0, v39  }
0x18e: {  	[tilespmem:s21+$0xFFFFFF50] =	vst v39  }
0x18f: {  	v39 =	vld.idx.msk [tilespmem:v40+s3+$0x0], $0xffff;
	_ =	sdelay $0x2  }
0x190: {  	s25 =	sadd.s32 $0xFFFFFB80, s20  }
0x191: {  	v62 =	vmov s25  }
0x192: {  	v40 =	vshrl.u32 v62, $0x7;
	v39 =	vtrunc.f32 v39  }
0x193: {  	v40 =	vshll.u32 v40, v38;
	v39 =	vcvt.f32.s32 v39  }
0x194: {  	v40 =	vbroadcast v40, $0x0  }
0x195: {  	vm1 =	vgt.s32 v39, $0x0  }
0x196: {  	v40 =	vor.u32 v19, v40;
	v39 =	vnsel vm1, $0x0, v39  }
0x197: {  	s25 =	sor.u32 $0x280, s24;
	v39 =	vmin.u32 v39, $0x7  }
0x198: {  	v39 =	vor.u32 s25, v39  }
0x199: {  	v39 =	vor.u32 v0, v39  }
0x19a: {  	[tilespmem:s21+$0xFFFFFF60] =	vst v39  }
0x19b: {  	v39 =	vld.idx.msk [tilespmem:v40+s3+$0x0], $0xffff;
	_ =	sdelay $0x2  }
0x19c: {  	s25 =	sadd.s32 $0xFFFFFC00, s20  }
0x19d: {  	v63 =	vmov s25  }
0x19e: {  	v40 =	vshrl.u32 v63, $0x7;
	v39 =	vtrunc.f32 v39  }
0x19f: {  	v40 =	vshll.u32 v40, v38;
	v39 =	vcvt.f32.s32 v39  }
0x1a0: {  	v40 =	vbroadcast v40, $0x0  }
0x1a1: {  	vm1 =	vgt.s32 v39, $0x0  }
0x1a2: {  	v40 =	vor.u32 v19, v40;
	v39 =	vnsel vm1, $0x0, v39  }
0x1a3: {  	s25 =	sor.u32 $0x300, s24;
	v39 =	vmin.u32 v39, $0x7  }
0x1a4: {  	v39 =	vor.u32 s25, v39  }
0x1a5: {  	v39 =	vor.u32 v0, v39  }
0x1a6: {  	[tilespmem:s21+$0xFFFFFF70] =	vst v39  }
0x1a7: {  	v39 =	vld.idx.msk [tilespmem:v40+s3+$0x0], $0xffff;
	_ =	sdelay $0x4  }
0x1a8: {  	v39 =	vtrunc.f32 v39  }
0x1a9: {  	v39 =	vcvt.f32.s32 v39;
	_ =	sdelay $0x1  }
0x1aa: {  	vm1 =	vgt.s32 v39, $0x0  }
0x1ab: {  	v39 =	vnsel vm1, $0x0, v39  }
0x1ac: {  	s24 =	sor.u32 $0x380, s24;
	v39 =	vmin.u32 v39, $0x7  }
0x1ad: {  	v39 =	vor.u32 s24, v39  }
0x1ae: {  	v39 =	vor.u32 v0, v39  }
0x1af: {  	[tilespmem:s21+$0xFFFFFF80] =	vst v39  }
.LBB2_4:
.Ltmp3:
0x1b0: {  	(pc) =	sbr.rel @p0 .LBB2_6-.Ltmp3, $4  }
0x1b1: {  	_ =	swait.ge [sflag:s16], $0x8000  }
0x1b2: {  	[sflag:s16] =	ssyncset.done $0x0  }
0x1b3: {  	[sflag:s16] =	ssyncadd.s32 $0xFFFF8000  }
0x1b4: {  	[hbm4b:s22+s3] =	stream.linear.scatter [tilespmem:s11], [sflag:$0x3], $0x8000, $0x38;
	[tilespmem:$0x1E400] =	vst v63  }
0x1b5: {  	_ =	swait.ge [sflag:s18], $0x8000  }
0x1b6: {  	[sflag:s18] =	ssyncset.done $0x0  }
0x1b7: {  	[sflag:s18] =	ssyncadd.s32 $0xFFFF8000  }
0x1b8: {  	v39 =	vld [tilespmem:s21+$0xFFFFFF10];
	_ =	sdelay $0x4  }
0x1b9: {  	v40 =	vshll.u32 v39, $0x1  }
0x1ba: {  	v39 =	vand.u32 $0x7, v39;
	v40 =	vand.u32 $0xFFFFFFF0, v40  }
0x1bb: {  	v39 =	vor.u32 v39, v40  }
0x1bc: {  	v40 =	vperm.xlane v39, v27;
	_ =	sdelay $0x1  }
0x1bd: {  	v39 =	vperm.xlane v39, v29;
	v40 =	vadd.s32 v28, v40;
	_ =	sdelay $0x1  }
0x1be: {  	v39 =	vadd.s32 v28, v39;
	_ =	sdelay $0x2  }
0x1bf: {  	[tilespmem:s11], [sflag:$0x1] =	stream.indirect_vreg.gather [hbm4b:s2+s3], $0x80, v40, vm0, $0xb8;
	[tilespmem:$0x1E400] =	vst v63  }
0x1c0: {  	s24 =	simm.s32 $0xEC00  }
0x1c1: {  	[tilespmem:s24], [sflag:$0x1] =	stream.indirect_vreg.gather [hbm4b:s2+s3], $0x80, v39, vm0, $0xb8;
	[tilespmem:$0x1E400] =	vst v63  }
0x1c2: {  	v39 =	vld [tilespmem:s21+$0xFFFFFF20];
	_ =	sdelay $0x4  }
0x1c3: {  	v61 =	vshll.u32 v39, $0x1  }
0x1c4: {  	v39 =	vand.u32 $0x7, v39;
	v40 =	vand.u32 $0xFFFFFFF0, v61  }
0x1c5: {  	v39 =	vor.u32 v39, v40  }
0x1c6: {  	v40 =	vperm.xlane v39, v27;
	_ =	sdelay $0x1  }
0x1c7: {  	v39 =	vperm.xlane v39, v29;
	v40 =	vadd.s32 v28, v40;
	_ =	sdelay $0x1  }
0x1c8: {  	v39 =	vadd.s32 v28, v39;
	_ =	sdelay $0x1  }
0x1c9: {  	s25 =	simm.s32 $0xF400  }
0x1ca: {  	[tilespmem:s25], [sflag:$0x1] =	stream.indirect_vreg.gather [hbm4b:s2+s3], $0x80, v40, vm0, $0xb8;
	[tilespmem:$0x1E400] =	vst v63  }
0x1cb: {  	s25 =	simm.s32 $0xFC00  }
0x1cc: {  	[tilespmem:s25], [sflag:$0x1] =	stream.indirect_vreg.gather [hbm4b:s2+s3], $0x80, v39, vm0, $0xb8;
	[tilespmem:$0x1E400] =	vst v63  }
0x1cd: {  	v39 =	vld [tilespmem:s21+$0xFFFFFF30];
	_ =	sdelay $0x4  }
0x1ce: {  	v62 =	vshll.u32 v39, $0x1  }
0x1cf: {  	v39 =	vand.u32 $0x7, v39;
	v40 =	vand.u32 $0xFFFFFFF0, v62  }
0x1d0: {  	v39 =	vor.u32 v39, v40  }
0x1d1: {  	v40 =	vperm.xlane v39, v27;
	_ =	sdelay $0x1  }
0x1d2: {  	v39 =	vperm.xlane v39, v29;
	v40 =	vadd.s32 v28, v40;
	_ =	sdelay $0x1  }
0x1d3: {  	v39 =	vadd.s32 v28, v39;
	_ =	sdelay $0x1  }
0x1d4: {  	s25 =	simm.s32 $0x10400  }
0x1d5: {  	[tilespmem:s25], [sflag:$0x1] =	stream.indirect_vreg.gather [hbm4b:s2+s3], $0x80, v40, vm0, $0xb8;
	[tilespmem:$0x1E400] =	vst v63  }
0x1d6: {  	s25 =	simm.s32 $0x10C00  }
0x1d7: {  	[tilespmem:s25], [sflag:$0x1] =	stream.indirect_vreg.gather [hbm4b:s2+s3], $0x80, v39, vm0, $0xb8;
	[tilespmem:$0x1E400] =	vst v63  }
0x1d8: {  	v39 =	vld [tilespmem:s21+$0xFFFFFF40];
	_ =	sdelay $0x4  }
0x1d9: {  	v63 =	vshll.u32 v39, $0x1  }
0x1da: {  	v39 =	vand.u32 $0x7, v39;
	v40 =	vand.u32 $0xFFFFFFF0, v63  }
0x1db: {  	v39 =	vor.u32 v39, v40  }
0x1dc: {  	v40 =	vperm.xlane v39, v27;
	_ =	sdelay $0x1  }
0x1dd: {  	v39 =	vperm.xlane v39, v29;
	v40 =	vadd.s32 v28, v40;
	_ =	sdelay $0x1  }
0x1de: {  	v39 =	vadd.s32 v28, v39;
	_ =	sdelay $0x1  }
0x1df: {  	s25 =	simm.s32 $0x11400  }
0x1e0: {  	[tilespmem:s25], [sflag:$0x1] =	stream.indirect_vreg.gather [hbm4b:s2+s3], $0x80, v40, vm0, $0xb8;
	[tilespmem:$0x1E400] =	vst v63  }
0x1e1: {  	s25 =	simm.s32 $0x11C00  }
0x1e2: {  	[tilespmem:s25], [sflag:$0x1] =	stream.indirect_vreg.gather [hbm4b:s2+s3], $0x80, v39, vm0, $0xb8;
	[tilespmem:$0x1E400] =	vst v63  }
0x1e3: {  	v39 =	vld [tilespmem:s21+$0xFFFFFF50];
	_ =	sdelay $0x4  }
0x1e4: {  	v44 =	vshll.u32 v39, $0x1  }
0x1e5: {  	v39 =	vand.u32 $0x7, v39;
	v40 =	vand.u32 $0xFFFFFFF0, v44  }
0x1e6: {  	v39 =	vor.u32 v39, v40  }
0x1e7: {  	v40 =	vperm.xlane v39, v27;
	_ =	sdelay $0x1  }
0x1e8: {  	v39 =	vperm.xlane v39, v29;
	v40 =	vadd.s32 v28, v40;
	_ =	sdelay $0x1  }
0x1e9: {  	v39 =	vadd.s32 v28, v39;
	_ =	sdelay $0x1  }
0x1ea: {  	s25 =	simm.s32 $0x12400  }
0x1eb: {  	[tilespmem:s25], [sflag:$0x1] =	stream.indirect_vreg.gather [hbm4b:s2+s3], $0x80, v40, vm0, $0xb8;
	[tilespmem:$0x1E400] =	vst v63  }
0x1ec: {  	s25 =	simm.s32 $0x12C00  }
0x1ed: {  	[tilespmem:s25], [sflag:$0x1] =	stream.indirect_vreg.gather [hbm4b:s2+s3], $0x80, v39, vm0, $0xb8;
	[tilespmem:$0x1E400] =	vst v63  }
0x1ee: {  	v39 =	vld [tilespmem:s21+$0xFFFFFF60];
	_ =	sdelay $0x4  }
0x1ef: {  	v45 =	vshll.u32 v39, $0x1  }
0x1f0: {  	v39 =	vand.u32 $0x7, v39;
	v40 =	vand.u32 $0xFFFFFFF0, v45  }
0x1f1: {  	v39 =	vor.u32 v39, v40  }
0x1f2: {  	v40 =	vperm.xlane v39, v27;
	_ =	sdelay $0x1  }
0x1f3: {  	v39 =	vperm.xlane v39, v29;
	v40 =	vadd.s32 v28, v40;
	_ =	sdelay $0x1  }
0x1f4: {  	v39 =	vadd.s32 v28, v39;
	_ =	sdelay $0x1  }
0x1f5: {  	s25 =	simm.s32 $0x13400  }
0x1f6: {  	[tilespmem:s25], [sflag:$0x1] =	stream.indirect_vreg.gather [hbm4b:s2+s3], $0x80, v40, vm0, $0xb8;
	[tilespmem:$0x1E400] =	vst v63  }
0x1f7: {  	s25 =	simm.s32 $0x13C00  }
0x1f8: {  	[tilespmem:s25], [sflag:$0x1] =	stream.indirect_vreg.gather [hbm4b:s2+s3], $0x80, v39, vm0, $0xb8;
	[tilespmem:$0x1E400] =	vst v63  }
0x1f9: {  	v39 =	vld [tilespmem:s21+$0xFFFFFF70];
	_ =	sdelay $0x4  }
0x1fa: {  	v46 =	vshll.u32 v39, $0x1  }
0x1fb: {  	v39 =	vand.u32 $0x7, v39;
	v40 =	vand.u32 $0xFFFFFFF0, v46  }
0x1fc: {  	v39 =	vor.u32 v39, v40  }
0x1fd: {  	v40 =	vperm.xlane v39, v27;
	_ =	sdelay $0x1  }
0x1fe: {  	v39 =	vperm.xlane v39, v29;
	v40 =	vadd.s32 v28, v40;
	_ =	sdelay $0x1  }
0x1ff: {  	v39 =	vadd.s32 v28, v39;
	_ =	sdelay $0x1  }
0x200: {  	s25 =	simm.s32 $0x14400  }
0x201: {  	[tilespmem:s25], [sflag:$0x1] =	stream.indirect_vreg.gather [hbm4b:s2+s3], $0x80, v40, vm0, $0xb8;
	[tilespmem:$0x1E400] =	vst v63  }
0x202: {  	s25 =	simm.s32 $0x14C00  }
0x203: {  	[tilespmem:s25], [sflag:$0x1] =	stream.indirect_vreg.gather [hbm4b:s2+s3], $0x80, v39, vm0, $0xb8;
	[tilespmem:$0x1E400] =	vst v63  }
0x204: {  	v39 =	vld [tilespmem:s21+$0xFFFFFF80];
	_ =	sdelay $0x4  }
0x205: {  	v47 =	vshll.u32 v39, $0x1  }
0x206: {  	v39 =	vand.u32 $0x7, v39;
	v40 =	vand.u32 $0xFFFFFFF0, v47  }
0x207: {  	s24 =	sadd.s32 $0xFFFFFC80, s20;
	v39 =	vor.u32 v39, v40  }
0x208: {  	v41 =	vmov s24;
	v40 =	vperm.xlane v39, v27  }
0x209: {  	v41 =	vshrl.u32 v41, $0x7  }
0x20a: {  	v41 =	vshll.u32 v41, v38;
	v39 =	vperm.xlane v39, v29;
	v40 =	vadd.s32 v28, v40  }
0x20b: {  	v41 =	vbroadcast v41, $0x0  }
0x20c: {  	v39 =	vadd.s32 v28, v39  }
0x20d: {  	v41 =	vor.u32 v19, v41  }
0x20e: {  	s25 =	simm.s32 $0x15400  }
0x20f: {  	[tilespmem:s25], [sflag:$0x1] =	stream.indirect_vreg.gather [hbm4b:s2+s3], $0x80, v40, vm0, $0xb8;
	[tilespmem:$0x1E400] =	vst v63  }
0x210: {  	_ = 	snop  }
0x211: {  	[tilespmem:s26], [sflag:$0x1] =	stream.indirect_vreg.gather [hbm4b:s2+s3], $0x80, v39, vm0, $0xb8;
	[tilespmem:$0x1E400] =	vst v63  }
0x212: {  	v39 =	vld.idx.msk [tilespmem:v41+s3+$0x0], $0xffff;
	_ =	sdelay $0x2  }
0x213: {  	s25 =	sadd.s32 $0xFFFFFD00, s20  }
0x214: {  	v48 =	vmov s25  }
0x215: {  	v40 =	vshrl.u32 v48, $0x7;
	v39 =	vtrunc.f32 v39  }
0x216: {  	v40 =	vshll.u32 v40, v38;
	v39 =	vcvt.f32.s32 v39  }
0x217: {  	v40 =	vbroadcast v40, $0x0  }
0x218: {  	vm1 =	vgt.s32 v39, $0x0  }
0x219: {  	s24 =	sadd.s32 s4, s24;
	v40 =	vor.u32 v19, v40;
	v39 =	vnsel vm1, $0x0, v39  }
0x21a: {  	s24 =	sand.u32 $0xC00, s24;
	v39 =	vmin.u32 v39, $0x7  }
0x21b: {  	v39 =	vor.u32 s24, v39  }
0x21c: {  	v39 =	vor.u32 v0, v39  }
0x21d: {  	[tilespmem:s21+$0xFFFFFF90] =	vst v39  }
0x21e: {  	v39 =	vld.idx.msk [tilespmem:v40+s3+$0x0], $0xffff;
	_ =	sdelay $0x2  }
0x21f: {  	s25 =	sadd.s32 $0xFFFFFD80, s20  }
0x220: {  	v49 =	vmov s25  }
0x221: {  	v40 =	vshrl.u32 v49, $0x7;
	v39 =	vtrunc.f32 v39  }
0x222: {  	v40 =	vshll.u32 v40, v38;
	v39 =	vcvt.f32.s32 v39  }
0x223: {  	v40 =	vbroadcast v40, $0x0  }
0x224: {  	vm1 =	vgt.s32 v39, $0x0  }
0x225: {  	v40 =	vor.u32 v19, v40;
	v39 =	vnsel vm1, $0x0, v39  }
0x226: {  	s25 =	sor.u32 $0x80, s24;
	v39 =	vmin.u32 v39, $0x7  }
0x227: {  	v39 =	vor.u32 s25, v39  }
0x228: {  	v39 =	vor.u32 v0, v39  }
0x229: {  	[tilespmem:s21+$0xFFFFFFA0] =	vst v39  }
0x22a: {  	v39 =	vld.idx.msk [tilespmem:v40+s3+$0x0], $0xffff;
	_ =	sdelay $0x2  }
0x22b: {  	s25 =	sadd.s32 $0xFFFFFE00, s20  }
0x22c: {  	v50 =	vmov s25  }
0x22d: {  	v40 =	vshrl.u32 v50, $0x7;
	v39 =	vtrunc.f32 v39  }
0x22e: {  	v40 =	vshll.u32 v40, v38;
	v39 =	vcvt.f32.s32 v39  }
0x22f: {  	v40 =	vbroadcast v40, $0x0  }
0x230: {  	vm1 =	vgt.s32 v39, $0x0  }
0x231: {  	v40 =	vor.u32 v19, v40;
	v39 =	vnsel vm1, $0x0, v39  }
0x232: {  	s25 =	sor.u32 $0x100, s24;
	v39 =	vmin.u32 v39, $0x7  }
0x233: {  	v39 =	vor.u32 s25, v39  }
0x234: {  	v39 =	vor.u32 v0, v39  }
0x235: {  	[tilespmem:s21+$0xFFFFFFB0] =	vst v39  }
0x236: {  	v39 =	vld.idx.msk [tilespmem:v40+s3+$0x0], $0xffff;
	_ =	sdelay $0x2  }
0x237: {  	s25 =	sadd.s32 $0xFFFFFE80, s20  }
0x238: {  	v51 =	vmov s25  }
0x239: {  	v40 =	vshrl.u32 v51, $0x7;
	v39 =	vtrunc.f32 v39  }
0x23a: {  	v40 =	vshll.u32 v40, v38;
	v39 =	vcvt.f32.s32 v39  }
0x23b: {  	v40 =	vbroadcast v40, $0x0  }
0x23c: {  	vm1 =	vgt.s32 v39, $0x0  }
0x23d: {  	v40 =	vor.u32 v19, v40;
	v39 =	vnsel vm1, $0x0, v39  }
0x23e: {  	s25 =	sor.u32 $0x180, s24;
	v39 =	vmin.u32 v39, $0x7  }
0x23f: {  	v39 =	vor.u32 s25, v39  }
0x240: {  	v39 =	vor.u32 v0, v39  }
0x241: {  	[tilespmem:s21+$0xFFFFFFC0] =	vst v39  }
0x242: {  	v39 =	vld.idx.msk [tilespmem:v40+s3+$0x0], $0xffff;
	_ =	sdelay $0x2  }
0x243: {  	s25 =	sadd.s32 $0xFFFFFF00, s20  }
0x244: {  	v52 =	vmov s25  }
0x245: {  	v40 =	vshrl.u32 v52, $0x7;
	v39 =	vtrunc.f32 v39  }
0x246: {  	v40 =	vshll.u32 v40, v38;
	v39 =	vcvt.f32.s32 v39  }
0x247: {  	v40 =	vbroadcast v40, $0x0  }
0x248: {  	vm1 =	vgt.s32 v39, $0x0  }
0x249: {  	v40 =	vor.u32 v19, v40;
	v39 =	vnsel vm1, $0x0, v39  }
0x24a: {  	s25 =	sor.u32 $0x200, s24;
	v39 =	vmin.u32 v39, $0x7  }
0x24b: {  	v39 =	vor.u32 s25, v39  }
0x24c: {  	v39 =	vor.u32 v0, v39  }
0x24d: {  	[tilespmem:s21+$0xFFFFFFD0] =	vst v39  }
0x24e: {  	v39 =	vld.idx.msk [tilespmem:v40+s3+$0x0], $0xffff;
	_ =	sdelay $0x2  }
0x24f: {  	s25 =	sadd.s32 $0xFFFFFF80, s20  }
0x250: {  	v53 =	vmov s25  }
0x251: {  	v40 =	vshrl.u32 v53, $0x7;
	v39 =	vtrunc.f32 v39  }
0x252: {  	v40 =	vshll.u32 v40, v38;
	v39 =	vcvt.f32.s32 v39  }
0x253: {  	v40 =	vbroadcast v40, $0x0  }
0x254: {  	vm1 =	vgt.s32 v39, $0x0  }
0x255: {  	v40 =	vor.u32 v19, v40;
	v39 =	vnsel vm1, $0x0, v39  }
0x256: {  	s25 =	sor.u32 $0x280, s24;
	v39 =	vmin.u32 v39, $0x7  }
0x257: {  	v39 =	vor.u32 s25, v39  }
0x258: {  	v39 =	vor.u32 v0, v39  }
0x259: {  	[tilespmem:s21+$0xFFFFFFE0] =	vst v39  }
0x25a: {  	v39 =	vld.idx.msk [tilespmem:v40+s3+$0x0], $0xffff;
	_ =	sdelay $0x3  }
0x25b: {  	v54 =	vmov s20  }
0x25c: {  	v40 =	vshrl.u32 v54, $0x7;
	v39 =	vtrunc.f32 v39  }
0x25d: {  	v40 =	vshll.u32 v40, v38;
	v39 =	vcvt.f32.s32 v39  }
0x25e: {  	v40 =	vbroadcast v40, $0x0  }
0x25f: {  	vm1 =	vgt.s32 v39, $0x0  }
0x260: {  	v40 =	vor.u32 v19, v40;
	v39 =	vnsel vm1, $0x0, v39  }
0x261: {  	s25 =	sor.u32 $0x300, s24;
	v39 =	vmin.u32 v39, $0x7  }
0x262: {  	v39 =	vor.u32 s25, v39  }
0x263: {  	v39 =	vor.u32 v0, v39  }
0x264: {  	[tilespmem:s21+$0xFFFFFFF0] =	vst v39  }
0x265: {  	v39 =	vld.idx.msk [tilespmem:v40+s3+$0x0], $0xffff;
	_ =	sdelay $0x4  }
0x266: {  	v39 =	vtrunc.f32 v39  }
0x267: {  	v39 =	vcvt.f32.s32 v39;
	_ =	sdelay $0x1  }
0x268: {  	vm1 =	vgt.s32 v39, $0x0  }
0x269: {  	v39 =	vnsel vm1, $0x0, v39  }
0x26a: {  	s24 =	sor.u32 $0x380, s24;
	v39 =	vmin.u32 v39, $0x7  }
0x26b: {  	v39 =	vor.u32 s24, v39  }
0x26c: {  	v39 =	vor.u32 v0, v39  }
0x26d: {  	[tilespmem:s21+$0x0] =	vst v39  }
0x26e: {  	_ =	swait.ge [sflag:s17], $0x8000  }
0x26f: {  	[sflag:s17] =	ssyncset.done $0x0  }
0x270: {  	[sflag:s17] =	ssyncadd.s32 $0xFFFF8000  }
0x271: {  	[hbm4b:s23+s3] =	stream.linear.scatter [tilespmem:s28], [sflag:$0x4], $0x8000, $0x38;
	[tilespmem:$0x1E400] =	vst v63  }
0x272: {  	_ =	swait.ge [sflag:s19], $0x8000  }
0x273: {  	[sflag:s19] =	ssyncset.done $0x0  }
0x274: {  	[sflag:s19] =	ssyncadd.s32 $0xFFFF8000  }
0x275: {  	v55 =	vld [tilespmem:s21+$0xFFFFFF90];
	_ =	sdelay $0x4  }
0x276: {  	v56 =	vshll.u32 v55, $0x1  }
0x277: {  	v39 =	vand.u32 $0x7, v55;
	v40 =	vand.u32 $0xFFFFFFF0, v56  }
0x278: {  	v39 =	vor.u32 v39, v40  }
0x279: {  	v40 =	vperm.xlane v39, v27;
	_ =	sdelay $0x1  }
0x27a: {  	v39 =	vperm.xlane v39, v29;
	v40 =	vadd.s32 v28, v40;
	_ =	sdelay $0x1  }
0x27b: {  	v39 =	vadd.s32 v28, v39;
	_ =	sdelay $0x2  }
0x27c: {  	[tilespmem:s28], [sflag:$0x2] =	stream.indirect_vreg.gather [hbm4b:s2+s3], $0x80, v40, vm0, $0xb8;
	[tilespmem:$0x1E400] =	vst v63  }
0x27d: {  	_ = 	snop  }
0x27e: {  	[tilespmem:s29], [sflag:$0x2] =	stream.indirect_vreg.gather [hbm4b:s2+s3], $0x80, v39, vm0, $0xb8;
	[tilespmem:$0x1E400] =	vst v63  }
0x27f: {  	v39 =	vld [tilespmem:s21+$0xFFFFFFA0];
	_ =	sdelay $0x4  }
0x280: {  	v57 =	vshll.u32 v39, $0x1  }
0x281: {  	v39 =	vand.u32 $0x7, v39;
	v40 =	vand.u32 $0xFFFFFFF0, v57  }
0x282: {  	v39 =	vor.u32 v39, v40  }
0x283: {  	v40 =	vperm.xlane v39, v27;
	_ =	sdelay $0x1  }
0x284: {  	v39 =	vperm.xlane v39, v29;
	v40 =	vadd.s32 v28, v40;
	_ =	sdelay $0x1  }
0x285: {  	v39 =	vadd.s32 v28, v39;
	_ =	sdelay $0x2  }
0x286: {  	[tilespmem:s30], [sflag:$0x2] =	stream.indirect_vreg.gather [hbm4b:s2+s3], $0x80, v40, vm0, $0xb8;
	[tilespmem:$0x1E400] =	vst v63  }
0x287: {  	_ = 	snop  }
0x288: {  	[tilespmem:s31], [sflag:$0x2] =	stream.indirect_vreg.gather [hbm4b:s2+s3], $0x80, v39, vm0, $0xb8;
	[tilespmem:$0x1E400] =	vst v63  }
0x289: {  	v39 =	vld [tilespmem:s21+$0xFFFFFFB0];
	_ =	sdelay $0x4  }
0x28a: {  	v58 =	vshll.u32 v39, $0x1  }
0x28b: {  	v39 =	vand.u32 $0x7, v39;
	v40 =	vand.u32 $0xFFFFFFF0, v58  }
0x28c: {  	v39 =	vor.u32 v39, v40  }
0x28d: {  	v40 =	vperm.xlane v39, v27;
	_ =	sdelay $0x1  }
0x28e: {  	v39 =	vperm.xlane v39, v29;
	v40 =	vadd.s32 v28, v40;
	_ =	sdelay $0x1  }
0x28f: {  	v39 =	vadd.s32 v28, v39;
	_ =	sdelay $0x2  }
0x290: {  	[tilespmem:s1], [sflag:$0x2] =	stream.indirect_vreg.gather [hbm4b:s2+s3], $0x80, v40, vm0, $0xb8;
	[tilespmem:$0x1E400] =	vst v63  }
0x291: {  	_ = 	snop  }
0x292: {  	[tilespmem:s0], [sflag:$0x2] =	stream.indirect_vreg.gather [hbm4b:s2+s3], $0x80, v39, vm0, $0xb8;
	[tilespmem:$0x1E400] =	vst v63  }
0x293: {  	v39 =	vld [tilespmem:s21+$0xFFFFFFC0];
	_ =	sdelay $0x4  }
0x294: {  	v59 =	vshll.u32 v39, $0x1  }
0x295: {  	v39 =	vand.u32 $0x7, v39;
	v40 =	vand.u32 $0xFFFFFFF0, v59  }
0x296: {  	v39 =	vor.u32 v39, v40  }
0x297: {  	v40 =	vperm.xlane v39, v27;
	_ =	sdelay $0x1  }
0x298: {  	v39 =	vperm.xlane v39, v29;
	v40 =	vadd.s32 v28, v40;
	_ =	sdelay $0x1  }
0x299: {  	v39 =	vadd.s32 v28, v39;
	_ =	sdelay $0x2  }
0x29a: {  	[tilespmem:s5], [sflag:$0x2] =	stream.indirect_vreg.gather [hbm4b:s2+s3], $0x80, v40, vm0, $0xb8;
	[tilespmem:$0x1E400] =	vst v63  }
0x29b: {  	_ = 	snop  }
0x29c: {  	[tilespmem:s6], [sflag:$0x2] =	stream.indirect_vreg.gather [hbm4b:s2+s3], $0x80, v39, vm0, $0xb8;
	[tilespmem:$0x1E400] =	vst v63  }
0x29d: {  	v39 =	vld [tilespmem:s21+$0xFFFFFFD0];
	_ =	sdelay $0x4  }
0x29e: {  	v60 =	vshll.u32 v39, $0x1  }
0x29f: {  	v39 =	vand.u32 $0x7, v39;
	v40 =	vand.u32 $0xFFFFFFF0, v60  }
0x2a0: {  	v39 =	vor.u32 v39, v40  }
0x2a1: {  	v40 =	vperm.xlane v39, v27;
	_ =	sdelay $0x1  }
0x2a2: {  	v39 =	vperm.xlane v39, v29;
	v40 =	vadd.s32 v28, v40;
	_ =	sdelay $0x1  }
0x2a3: {  	v39 =	vadd.s32 v28, v39;
	_ =	sdelay $0x2  }
0x2a4: {  	[tilespmem:s7], [sflag:$0x2] =	stream.indirect_vreg.gather [hbm4b:s2+s3], $0x80, v40, vm0, $0xb8;
	[tilespmem:$0x1E400] =	vst v63  }
0x2a5: {  	_ = 	snop  }
0x2a6: {  	[tilespmem:s8], [sflag:$0x2] =	stream.indirect_vreg.gather [hbm4b:s2+s3], $0x80, v39, vm0, $0xb8;
	[tilespmem:$0x1E400] =	vst v63  }
0x2a7: {  	v39 =	vld [tilespmem:s21+$0xFFFFFFE0];
	_ =	sdelay $0x4  }
0x2a8: {  	v61 =	vshll.u32 v39, $0x1  }
0x2a9: {  	v39 =	vand.u32 $0x7, v39;
	v40 =	vand.u32 $0xFFFFFFF0, v61  }
0x2aa: {  	v39 =	vor.u32 v39, v40  }
0x2ab: {  	v40 =	vperm.xlane v39, v27;
	_ =	sdelay $0x1  }
0x2ac: {  	v39 =	vperm.xlane v39, v29;
	v40 =	vadd.s32 v28, v40;
	_ =	sdelay $0x1  }
0x2ad: {  	v39 =	vadd.s32 v28, v39;
	_ =	sdelay $0x2  }
0x2ae: {  	[tilespmem:s9], [sflag:$0x2] =	stream.indirect_vreg.gather [hbm4b:s2+s3], $0x80, v40, vm0, $0xb8;
	[tilespmem:$0x1E400] =	vst v63  }
0x2af: {  	_ = 	snop  }
0x2b0: {  	[tilespmem:s10], [sflag:$0x2] =	stream.indirect_vreg.gather [hbm4b:s2+s3], $0x80, v39, vm0, $0xb8;
	[tilespmem:$0x1E400] =	vst v63  }
0x2b1: {  	v39 =	vld [tilespmem:s21+$0xFFFFFFF0];
	_ =	sdelay $0x4  }
0x2b2: {  	v62 =	vshll.u32 v39, $0x1  }
0x2b3: {  	v39 =	vand.u32 $0x7, v39;
	v40 =	vand.u32 $0xFFFFFFF0, v62  }
0x2b4: {  	v39 =	vor.u32 v39, v40  }
0x2b5: {  	v40 =	vperm.xlane v39, v27;
	_ =	sdelay $0x1  }
0x2b6: {  	v39 =	vperm.xlane v39, v29;
	v40 =	vadd.s32 v28, v40;
	_ =	sdelay $0x1  }
0x2b7: {  	v39 =	vadd.s32 v28, v39;
	_ =	sdelay $0x2  }
0x2b8: {  	[tilespmem:s12], [sflag:$0x2] =	stream.indirect_vreg.gather [hbm4b:s2+s3], $0x80, v40, vm0, $0xb8;
	[tilespmem:$0x1E400] =	vst v63  }
0x2b9: {  	_ = 	snop  }
0x2ba: {  	[tilespmem:s13], [sflag:$0x2] =	stream.indirect_vreg.gather [hbm4b:s2+s3], $0x80, v39, vm0, $0xb8;
	[tilespmem:$0x1E400] =	vst v63  }
0x2bb: {  	v39 =	vld [tilespmem:s21+$0x0];
	_ =	sdelay $0x4  }
0x2bc: {  	v63 =	vshll.u32 v39, $0x1  }
0x2bd: {  	v39 =	vand.u32 $0x7, v39;
	v40 =	vand.u32 $0xFFFFFFF0, v63  }
0x2be: {  	v39 =	vor.u32 v39, v40  }
0x2bf: {  	v40 =	vperm.xlane v39, v27;
	_ =	sdelay $0x1  }
0x2c0: {  	v39 =	vperm.xlane v39, v29;
	v40 =	vadd.s32 v28, v40;
	_ =	sdelay $0x1  }
0x2c1: {  	v39 =	vadd.s32 v28, v39  }
.Ltmp4:
0x2c2: {  	_ = 	snop;
	(pc) =	sbr.rel .LBB2_2-.Ltmp4, $4  }
0x2c3: {  	s22 =	sadd.s32 $0x2000, s22  }
0x2c4: {  	[tilespmem:s14], [sflag:$0x2] =	stream.indirect_vreg.gather [hbm4b:s2+s3], $0x80, v40, vm0, $0xb8;
	[tilespmem:$0x1E400] =	vst v63  }
0x2c5: {  	s20 =	sadd.s32 $0x800, s20;
	s23 =	sadd.s32 $0x2000, s23;
	s21 =	sadd.s32 $0x100, s21  }
0x2c6: {  	[tilespmem:s15], [sflag:$0x2] =	stream.indirect_vreg.gather [hbm4b:s2+s3], $0x80, v39, vm0, $0xb8;
	[tilespmem:$0x1E400] =	vst v63  }
.LBB2_7:
0x2c7: {  	_ =	sfence.sel $0x180000  }
0x2c8: {  	[bflag:$0x0] =	sbarrier.arrive $0xFFFF  }
0x2c9: {  	_ =	strace $0x90000047  }
0x2ca: {  	s0 =	stileid.u32;
	[bflag:$0x2] =	sbarrier.arrive $0xFFFF  }
0x2cb: {  	p0 =	sne.s32 s0, $0x0;
	s0 =	rddreg [dreg:$0x3]  }
0x2cc: {  	s0 =	sadd.s32 @!p0 $0x100000, s0  }
0x2cd: {  	[sflag:s0] =	ssyncadd.tile.s32 @!p0 $0x1;
	_ =	shalt  }
.Lfunc_end2:
_tile_overlayer_lowered:
.L_overlay_start_2:
0x2ce: {  	(tag) =	ssettag $0x2  }
0x2cf: {  	s0 =	rddreg [dreg:$0x0];
	s2 =	stileid.u32  }
0x2d0: {  	s1 =	rddreg [dreg:$0x1];
	p0 =	sne.s32 s2, $0x0  }
0x2d1: {  	s3 =	rddreg [dreg:$0x2];
	[bflag:$0x3] =	sbarrier.arrive $0xFFFF;
	s2 =	simm.s32 @!p0 $0x1C05  }
0x2d2: {  	[timem:s3], [sflag:s2] =	dma.local @!p0 [hbm:s0], s1  }
0x2d3: {  	s0 =	simm.s32 @!p0 $0x5  }
0x2d4: {  	_ =	swait.ge @!p0 [sflag:s0], s1  }
0x2d5: {  	s1 =	ssub.s32 @!p0 $0x0, s1;
	[sflag:s0] =	ssyncset.done @!p0 $0x0  }
0x2d6: {  	[sflag:s0] =	ssyncadd.s32 @!p0 s1  }
0x2d7: {  	[bflag:$0x3] =	sbarrier.arrive $0xFFFF  }
0x2d8: {  	_ =	shalt  }

</sc_bundles>
